<compile_context>
chip_gen: v7x
topology: tpu7x:2x2x1
jax: 0.10.2.dev20260603
libtpu: 0.0.44.dev20260713+nightly
codegen_flags: <defaults>
</compile_context>

<pallas_src>
import functools
import jax
import jax.numpy as jnp
from jax import lax
from jax.experimental import pallas as pl
from jax.experimental.pallas import tpu as pltpu
from jax.experimental.pallas import tpu_sc as plsc

VOCAB = 1000000
EMBED_DIM = 64
BATCH = 4096
HIST = 50
HPAD = 64

NUM_CORES = 2
NUM_SUBCORES = 16
NW = NUM_CORES * NUM_SUBCORES
BBLK = BATCH // NW

TBLK = 8192
TGRID = (VOCAB + TBLK - 1) // TBLK

_mesh = plsc.VectorSubcoreMesh(
    core_axis_name="c", subcore_axis_name="s",
    num_cores=NUM_CORES, num_subcores=NUM_SUBCORES,
)


def _pack_body(tt_ref, out_ref):
    y = tt_ref[...].T.reshape(TBLK // 2, 2, EMBED_DIM)
    out_ref[...] = jnp.concatenate([y[:, 0, :], y[:, 1, :]], axis=-1)


def _pack_table(tableT):
    return pl.pallas_call(
        _pack_body,
        grid=(TGRID,),
        in_specs=[pl.BlockSpec((EMBED_DIM, TBLK), lambda b: (0, b))],
        out_specs=pl.BlockSpec((TBLK // 2, 2 * EMBED_DIM), lambda b: (b, 0)),
        out_shape=jax.ShapeDtypeStruct((VOCAB // 2, 2 * EMBED_DIM),
                                       jnp.float32),
    )(tableT)


@functools.partial(
    pl.kernel,
    mesh=_mesh,
    out_type=jax.ShapeDtypeStruct((HIST, 8, NW, 8, BBLK), jnp.float32),
    scratch_types=[
        pltpu.VMEM((HPAD, BBLK), jnp.int32),
        pltpu.VMEM((HPAD, BBLK), jnp.int32),
        [pltpu.VMEM((BBLK, 128), jnp.float32) for _ in range(2)],
        [pltpu.VMEM((8, 8, BBLK), jnp.float32) for _ in range(2)],
        [pltpu.SemaphoreType.DMA for _ in range(2)],
        [pltpu.SemaphoreType.DMA for _ in range(2)],
    ],
    compiler_params=pltpu.CompilerParams(use_tc_tiling_on_sc=True,
                                         needs_layout_passes=False),
)
def _embed_gather(idxh_hbm, colb_hbm, table2_hbm, out_hbm,
                  idx_v, col_v, abuf, bbuf, gsem, osem):
    wid = lax.axis_index("s") * NUM_CORES + lax.axis_index("c")

    pltpu.sync_copy(idxh_hbm.at[wid], idx_v)
    pltpu.sync_copy(colb_hbm.at[wid], col_v)

    iotas = [lax.iota(jnp.int32, 16) + 16 * k for k in range(8)]

    pltpu.async_copy(table2_hbm.at[idx_v.at[0]], abuf[0], gsem[0])

    def step(h, pb):
        @pl.when(h + 1 < HIST)
        def _fire_gather():
            pltpu.async_copy(table2_hbm.at[idx_v.at[h + 1]], abuf[1 - pb],
                             gsem[1 - pb])

        pltpu.make_async_copy(table2_hbm.at[idx_v.at[h]], abuf[pb],
                              gsem[pb]).wait()

        @pl.when(h >= 2)
        def _drain_out():
            pltpu.make_async_copy(bbuf[pb], out_hbm.at[h - 2, :, wid],
                                  osem[pb]).wait()

        a, b = abuf[pb], bbuf[pb]
        cvec = [col_v[h, pl.ds(16 * k, 16)] for k in range(8)]

        @plsc.parallel_loop(0, EMBED_DIM, unroll=4)
        def _tc(c):
            i = lax.shift_right_logical(c, 3)
            s = lax.rem(c, 8)
            cc = jnp.full((16,), c, jnp.int32)
            for k in range(8):
                b[i, s, pl.ds(16 * k, 16)] = plsc.load_gather(
                    a, [iotas[k], cc + cvec[k]])

        pltpu.async_copy(b, out_hbm.at[h, :, wid], osem[pb])

    @pl.loop(0, HIST, step=2)
    def _run(h0):
        step(h0, 0)
        step(h0 + 1, 1)

    for pb in range(2):
        pltpu.make_async_copy(bbuf[pb], out_hbm.at[HIST - 2 + pb, :, wid],
                              osem[pb]).wait()


def kernel(input, table):
    per_w = input.astype(jnp.int32).T.reshape(HIST, NW, BBLK).transpose(1, 0, 2)
    pad = jnp.zeros((NW, HPAD - HIST, BBLK), jnp.int32)
    idx_half = jnp.concatenate([per_w >> 1, pad], axis=1)
    colbase = jnp.concatenate([(per_w & 1) << 6, pad], axis=1)
    table2 = _pack_table(table.T)
    out5 = _embed_gather(idx_half, colbase, table2)
    return out5.transpose(2, 4, 0, 1, 3).reshape(BATCH, HIST, EMBED_DIM)

# --- scband reference (transcript-rebuilt; emitter-appended) ---
"""Pipeline reference for scband-embedding-59906203845324 (READ-ONLY COPY).

The authoritative reference and input builder live on the scoring server;
editing this copy changes nothing except your own understanding.
"""

import jax, jax.numpy as jnp
import numpy as np

VOCAB = 1000000
EMBED_DIM = 64
BATCH = 4096
HIST = 50

def setup_inputs(seed: int = 0) -> dict:
    key = jax.random.key(seed)
    k_idx, k_tab = jax.random.split(key)
    indices = jax.random.randint(k_idx, (BATCH, HIST), 0, VOCAB, dtype=jnp.int64 if jax.config.jax_enable_x64 else jnp.int32)
    table = jax.random.normal(k_tab, (VOCAB, EMBED_DIM), dtype=jnp.float32) * 0.05
    return {"input": indices, "table": table}

def reference(input, table):
    # Keras Embedding forward: gather rows of the embedding table.
    # mask_zero=True only affects the propagated mask, not the output values.
    out = jnp.take(table, input, axis=0)
    return out

if __name__ == "__main__":
    import jax
    _d = setup_inputs()
    print(jax.jit(kernel)(*tuple(_d.values())))

</pallas_src>

<mosaic_0001>
#map = affine_map<(d0, d1) -> (0, 0, 0)>
#map1 = affine_map<(d0, d1) -> (0, 0)>
#map2 = affine_map<(d0, d1) -> (0, 0, 0, 0, 0)>
module attributes {stable_mosaic.version = 14 : i64} {
  func.func @_embed_gather(%arg0: i32, %arg1: i32, %arg2: memref<32x64x128xi32, #tpu.memory_space<hbm>>, %arg3: memref<32x64x128xi32, #tpu.memory_space<hbm>>, %arg4: memref<500000x128xf32, #tpu.memory_space<hbm>>, %arg5: memref<50x8x32x8x128xf32, #tpu.memory_space<hbm>>, %arg6: memref<64x128xi32, #tpu.memory_space<vmem>>, %arg7: memref<64x128xi32, #tpu.memory_space<vmem>>, %arg8: memref<128x128xf32, #tpu.memory_space<vmem>>, %arg9: memref<128x128xf32, #tpu.memory_space<vmem>>, %arg10: memref<8x8x128xf32, #tpu.memory_space<vmem>>, %arg11: memref<8x8x128xf32, #tpu.memory_space<vmem>>, %arg12: memref<!tpu.dma_semaphore, #tpu.memory_space<semaphore_mem>>, %arg13: memref<!tpu.dma_semaphore, #tpu.memory_space<semaphore_mem>>, %arg14: memref<!tpu.dma_semaphore, #tpu.memory_space<semaphore_mem>>, %arg15: memref<!tpu.dma_semaphore, #tpu.memory_space<semaphore_mem>>) attributes {dimension_semantics = [#tpu.dimension_semantics<core_parallel>, #tpu.dimension_semantics<subcore_parallel>], iteration_bounds = array<i64: 2, 16>, scalar_prefetch = 0 : i64, scratch_operands = 10 : i64, tpu.core_type = #tpu.core_type<sc_vector_subcore>, window_params = [{transform_indices = #map}, {transform_indices = #map}, {transform_indices = #map1}, {transform_indices = #map2}]} {
    %mul3A = arith.constant 2 : i32
    %mul3A_0 = arith.muli %arg1, %mul3A : i32
    %add3A = arith.addi %mul3A_0, %arg0 : i32
    "tpu.region"() ({
      %run_scoped3A = tpu.sem_alloc : memref<!tpu.dma_semaphore, #tpu.memory_space<semaphore_mem>>
      %dma_start3A_63 = arith.constant 0 : i32
      %dma_start3A_64 = arith.constant 0 : i32
      %dma_start3A_65 = tpu.memref_slice %arg2[%add3A, %dma_start3A_63, %dma_start3A_64] : memref<32x64x128xi32, #tpu.memory_space<hbm>> -> memref<1x64x128xi32, #tpu.memory_space<hbm>>
      %dma_start3A_66 = tpu.memref_squeeze %dma_start3A_65 : memref<1x64x128xi32, #tpu.memory_space<hbm>> -> memref<64x128xi32, #tpu.memory_space<hbm>>
      %dma_start3A_67 = arith.constant 0 : i32
      %dma_start3A_68 = arith.constant 0 : i32
      %dma_start3A_69 = tpu.memref_slice %arg2[%add3A, %dma_start3A_67, %dma_start3A_68] : memref<32x64x128xi32, #tpu.memory_space<hbm>> -> memref<1x64x128xi32, #tpu.memory_space<hbm>>
      %dma_start3A_70 = tpu.memref_squeeze %dma_start3A_69 : memref<1x64x128xi32, #tpu.memory_space<hbm>> -> memref<64x128xi32, #tpu.memory_space<hbm>>
      tpu.enqueue_dma source(%dma_start3A_70 : memref<64x128xi32, #tpu.memory_space<hbm>>) target(%arg6 : memref<64x128xi32, #tpu.memory_space<vmem>>) target_semaphore(%run_scoped3A : memref<!tpu.dma_semaphore, #tpu.memory_space<semaphore_mem>>)
      %dma_wait3A_71 = arith.constant 0 : i32
      %dma_wait3A_72 = arith.constant 0 : i32
      %dma_wait3A_73 = tpu.memref_slice %arg2[%add3A, %dma_wait3A_71, %dma_wait3A_72] : memref<32x64x128xi32, #tpu.memory_space<hbm>> -> memref<1x64x128xi32, #tpu.memory_space<hbm>>
      %dma_wait3A_74 = tpu.memref_squeeze %dma_wait3A_73 : memref<1x64x128xi32, #tpu.memory_space<hbm>> -> memref<64x128xi32, #tpu.memory_space<hbm>>
      %dma_wait3A_75 = arith.constant 0 : i32
      %dma_wait3A_76 = arith.constant 0 : i32
      %dma_wait3A_77 = tpu.memref_slice %arg2[%add3A, %dma_wait3A_75, %dma_wait3A_76] : memref<32x64x128xi32, #tpu.memory_space<hbm>> -> memref<1x64x128xi32, #tpu.memory_space<hbm>>
      %dma_wait3A_78 = tpu.memref_squeeze %dma_wait3A_77 : memref<1x64x128xi32, #tpu.memory_space<hbm>> -> memref<64x128xi32, #tpu.memory_space<hbm>>
      tpu.wait_dma2 semaphore(%run_scoped3A : memref<!tpu.dma_semaphore, #tpu.memory_space<semaphore_mem>>) src(%dma_wait3A_78 : memref<64x128xi32, #tpu.memory_space<hbm>>) dst(%arg6 : memref<64x128xi32, #tpu.memory_space<vmem>>)
      tpu.yield
    }) : () -> ()
    "tpu.region"() ({
      %run_scoped3A = tpu.sem_alloc : memref<!tpu.dma_semaphore, #tpu.memory_space<semaphore_mem>>
      %dma_start3A_63 = arith.constant 0 : i32
      %dma_start3A_64 = arith.constant 0 : i32
      %dma_start3A_65 = tpu.memref_slice %arg3[%add3A, %dma_start3A_63, %dma_start3A_64] : memref<32x64x128xi32, #tpu.memory_space<hbm>> -> memref<1x64x128xi32, #tpu.memory_space<hbm>>
      %dma_start3A_66 = tpu.memref_squeeze %dma_start3A_65 : memref<1x64x128xi32, #tpu.memory_space<hbm>> -> memref<64x128xi32, #tpu.memory_space<hbm>>
      %dma_start3A_67 = arith.constant 0 : i32
      %dma_start3A_68 = arith.constant 0 : i32
      %dma_start3A_69 = tpu.memref_slice %arg3[%add3A, %dma_start3A_67, %dma_start3A_68] : memref<32x64x128xi32, #tpu.memory_space<hbm>> -> memref<1x64x128xi32, #tpu.memory_space<hbm>>
      %dma_start3A_70 = tpu.memref_squeeze %dma_start3A_69 : memref<1x64x128xi32, #tpu.memory_space<hbm>> -> memref<64x128xi32, #tpu.memory_space<hbm>>
      tpu.enqueue_dma source(%dma_start3A_70 : memref<64x128xi32, #tpu.memory_space<hbm>>) target(%arg7 : memref<64x128xi32, #tpu.memory_space<vmem>>) target_semaphore(%run_scoped3A : memref<!tpu.dma_semaphore, #tpu.memory_space<semaphore_mem>>)
      %dma_wait3A_71 = arith.constant 0 : i32
      %dma_wait3A_72 = arith.constant 0 : i32
      %dma_wait3A_73 = tpu.memref_slice %arg3[%add3A, %dma_wait3A_71, %dma_wait3A_72] : memref<32x64x128xi32, #tpu.memory_space<hbm>> -> memref<1x64x128xi32, #tpu.memory_space<hbm>>
      %dma_wait3A_74 = tpu.memref_squeeze %dma_wait3A_73 : memref<1x64x128xi32, #tpu.memory_space<hbm>> -> memref<64x128xi32, #tpu.memory_space<hbm>>
      %dma_wait3A_75 = arith.constant 0 : i32
      %dma_wait3A_76 = arith.constant 0 : i32
      %dma_wait3A_77 = tpu.memref_slice %arg3[%add3A, %dma_wait3A_75, %dma_wait3A_76] : memref<32x64x128xi32, #tpu.memory_space<hbm>> -> memref<1x64x128xi32, #tpu.memory_space<hbm>>
      %dma_wait3A_78 = tpu.memref_squeeze %dma_wait3A_77 : memref<1x64x128xi32, #tpu.memory_space<hbm>> -> memref<64x128xi32, #tpu.memory_space<hbm>>
      tpu.wait_dma2 semaphore(%run_scoped3A : memref<!tpu.dma_semaphore, #tpu.memory_space<semaphore_mem>>) src(%dma_wait3A_78 : memref<64x128xi32, #tpu.memory_space<hbm>>) dst(%arg7 : memref<64x128xi32, #tpu.memory_space<vmem>>)
      tpu.yield
    }) : () -> ()
    %iota3A = tpu.iota {dimensions = array<i32: 0>} : vector<16xi32>
    %add3A_1 = arith.constant 0 : i32
    %add3A_2 = vector.broadcast %add3A_1 : i32 to vector<16xi32>
    %add3A_3 = arith.addi %iota3A, %add3A_2 : vector<16xi32>
    %iota3A_4 = tpu.iota {dimensions = array<i32: 0>} : vector<16xi32>
    %add3A_5 = arith.constant 16 : i32
    %add3A_6 = vector.broadcast %add3A_5 : i32 to vector<16xi32>
    %add3A_7 = arith.addi %iota3A_4, %add3A_6 : vector<16xi32>
    %iota3A_8 = tpu.iota {dimensions = array<i32: 0>} : vector<16xi32>
    %add3A_9 = arith.constant 32 : i32
    %add3A_10 = vector.broadcast %add3A_9 : i32 to vector<16xi32>
    %add3A_11 = arith.addi %iota3A_8, %add3A_10 : vector<16xi32>
    %iota3A_12 = tpu.iota {dimensions = array<i32: 0>} : vector<16xi32>
    %add3A_13 = arith.constant 48 : i32
    %add3A_14 = vector.broadcast %add3A_13 : i32 to vector<16xi32>
    %add3A_15 = arith.addi %iota3A_12, %add3A_14 : vector<16xi32>
    %iota3A_16 = tpu.iota {dimensions = array<i32: 0>} : vector<16xi32>
    %add3A_17 = arith.constant 64 : i32
    %add3A_18 = vector.broadcast %add3A_17 : i32 to vector<16xi32>
    %add3A_19 = arith.addi %iota3A_16, %add3A_18 : vector<16xi32>
    %iota3A_20 = tpu.iota {dimensions = array<i32: 0>} : vector<16xi32>
    %add3A_21 = arith.constant 80 : i32
    %add3A_22 = vector.broadcast %add3A_21 : i32 to vector<16xi32>
    %add3A_23 = arith.addi %iota3A_20, %add3A_22 : vector<16xi32>
    %iota3A_24 = tpu.iota {dimensions = array<i32: 0>} : vector<16xi32>
    %add3A_25 = arith.constant 96 : i32
    %add3A_26 = vector.broadcast %add3A_25 : i32 to vector<16xi32>
    %add3A_27 = arith.addi %iota3A_24, %add3A_26 : vector<16xi32>
    %iota3A_28 = tpu.iota {dimensions = array<i32: 0>} : vector<16xi32>
    %add3A_29 = arith.constant 112 : i32
    %add3A_30 = vector.broadcast %add3A_29 : i32 to vector<16xi32>
    %add3A_31 = arith.addi %iota3A_28, %add3A_30 : vector<16xi32>
    %dma_start3A = arith.constant 0 : i32
    %dma_start3A_32 = arith.constant 0 : i32
    %dma_start3A_33 = tpu.memref_slice %arg6[%dma_start3A, %dma_start3A_32] : memref<64x128xi32, #tpu.memory_space<vmem>> -> memref<1x128xi32, #tpu.memory_space<vmem>>
    %dma_start3A_34 = tpu.memref_squeeze %dma_start3A_33 : memref<1x128xi32, #tpu.memory_space<vmem>> -> memref<128xi32, #tpu.memory_space<vmem>>
    %dma_start3A_35 = arith.constant 0 : i32
    %dma_start3A_36 = arith.constant 0 : i32
    %dma_start3A_37 = tpu.memref_slice %arg4[%dma_start3A_35, %dma_start3A_36] : memref<500000x128xf32, #tpu.memory_space<hbm>> -> memref<500000x128xf32, #tpu.memory_space<hbm>>
    tpu.enqueue_indirect_dma source(%dma_start3A_37 : memref<500000x128xf32, #tpu.memory_space<hbm>>) target(%arg8 : memref<128x128xf32, #tpu.memory_space<vmem>>) offsets(%dma_start3A_34 : memref<128xi32, #tpu.memory_space<vmem>>) semaphore(%arg12 : memref<!tpu.dma_semaphore, #tpu.memory_space<semaphore_mem>>)
    %scan3A = arith.constant 0 : i32
    %scan3A_38 = arith.constant 25 : i32
    %scan3A_39 = arith.addi %scan3A, %scan3A_38 : i32
    %scan3A_40 = arith.constant 1 : i32
    scf.for %scan3A_63 = %scan3A to %scan3A_39 step %scan3A_40  : i32 {
      %mul3A_64 = arith.constant 2 : i32
      %mul3A_65 = arith.muli %scan3A_63, %mul3A_64 : i32
      %add3A_66 = arith.constant 0 : i32
      %add3A_67 = arith.addi %add3A_66, %mul3A_65 : i32
      %add3A_68 = arith.constant 1 : i32
      %add3A_69 = arith.addi %add3A_67, %add3A_68 : i32
      %lt3A = arith.constant 50 : i32
      %lt3A_70 = arith.cmpi slt, %add3A_69, %lt3A : i32
      %convert_element_type3A = arith.extui %lt3A_70 : i1 to i32
      %cond3A = arith.constant 0 : i32
      %cond3A_71 = arith.cmpi ne, %convert_element_type3A, %cond3A : i32
      scf.if %cond3A_71 {
        %add3A_174 = arith.constant 1 : i32
        %add3A_175 = arith.addi %add3A_67, %add3A_174 : i32
        %dma_start3A_176 = arith.constant 0 : i32
        %dma_start3A_177 = tpu.memref_slice %arg6[%add3A_175, %dma_start3A_176] : memref<64x128xi32, #tpu.memory_space<vmem>> -> memref<1x128xi32, #tpu.memory_space<vmem>>
        %dma_start3A_178 = tpu.memref_squeeze %dma_start3A_177 : memref<1x128xi32, #tpu.memory_space<vmem>> -> memref<128xi32, #tpu.memory_space<vmem>>
        %dma_start3A_179 = arith.constant 0 : i32
        %dma_start3A_180 = arith.constant 0 : i32
        %dma_start3A_181 = tpu.memref_slice %arg4[%dma_start3A_179, %dma_start3A_180] : memref<500000x128xf32, #tpu.memory_space<hbm>> -> memref<500000x128xf32, #tpu.memory_space<hbm>>
        tpu.enqueue_indirect_dma source(%dma_start3A_181 : memref<500000x128xf32, #tpu.memory_space<hbm>>) target(%arg9 : memref<128x128xf32, #tpu.memory_space<vmem>>) offsets(%dma_start3A_178 : memref<128xi32, #tpu.memory_space<vmem>>) semaphore(%arg13 : memref<!tpu.dma_semaphore, #tpu.memory_space<semaphore_mem>>)
      } else {
      }
      %dma_wait3A_72 = arith.constant 0 : i32
      %dma_wait3A_73 = tpu.memref_slice %arg6[%add3A_67, %dma_wait3A_72] : memref<64x128xi32, #tpu.memory_space<vmem>> -> memref<1x128xi32, #tpu.memory_space<vmem>>
      %dma_wait3A_74 = tpu.memref_squeeze %dma_wait3A_73 : memref<1x128xi32, #tpu.memory_space<vmem>> -> memref<128xi32, #tpu.memory_space<vmem>>
      %dma_wait3A_75 = arith.constant 0 : i32
      %dma_wait3A_76 = arith.constant 0 : i32
      %dma_wait3A_77 = tpu.memref_slice %arg4[%dma_wait3A_75, %dma_wait3A_76] : memref<500000x128xf32, #tpu.memory_space<hbm>> -> memref<500000x128xf32, #tpu.memory_space<hbm>>
      tpu.wait_indirect_dma semaphore(%arg12 : memref<!tpu.dma_semaphore, #tpu.memory_space<semaphore_mem>>) src(%dma_wait3A_77 : memref<500000x128xf32, #tpu.memory_space<hbm>>) dst(%arg8 : memref<128x128xf32, #tpu.memory_space<vmem>>)
      %ge3A = arith.constant 2 : i32
      %ge3A_78 = arith.cmpi sge, %add3A_67, %ge3A : i32
      %convert_element_type3A_79 = arith.extui %ge3A_78 : i1 to i32
      %cond3A_80 = arith.constant 0 : i32
      %cond3A_81 = arith.cmpi ne, %convert_element_type3A_79, %cond3A_80 : i32
      scf.if %cond3A_81 {
        %sub3A = arith.constant 2 : i32
        %sub3A_174 = arith.subi %add3A_67, %sub3A : i32
        %dma_wait3A_175 = arith.constant 0 : i32
        %dma_wait3A_176 = arith.constant 0 : i32
        %dma_wait3A_177 = arith.constant 0 : i32
        %dma_wait3A_178 = tpu.memref_slice %arg5[%sub3A_174, %dma_wait3A_175, %add3A, %dma_wait3A_176, %dma_wait3A_177] : memref<50x8x32x8x128xf32, #tpu.memory_space<hbm>> -> memref<1x8x1x8x128xf32, #tpu.memory_space<hbm>>
        %dma_wait3A_179 = tpu.memref_squeeze %dma_wait3A_178 : memref<1x8x1x8x128xf32, #tpu.memory_space<hbm>> -> memref<8x8x128xf32, #tpu.memory_space<hbm>>
        %dma_wait3A_180 = arith.constant 0 : i32
        %dma_wait3A_181 = arith.constant 0 : i32
        %dma_wait3A_182 = arith.constant 0 : i32
        %dma_wait3A_183 = tpu.memref_slice %arg5[%sub3A_174, %dma_wait3A_180, %add3A, %dma_wait3A_181, %dma_wait3A_182] : memref<50x8x32x8x128xf32, #tpu.memory_space<hbm>> -> memref<1x8x1x8x128xf32, #tpu.memory_space<hbm>>
        %dma_wait3A_184 = tpu.memref_squeeze %dma_wait3A_183 : memref<1x8x1x8x128xf32, #tpu.memory_space<hbm>> -> memref<8x8x128xf32, #tpu.memory_space<hbm>>
        tpu.wait_dma2 semaphore(%arg14 : memref<!tpu.dma_semaphore, #tpu.memory_space<semaphore_mem>>) src(%arg10 : memref<8x8x128xf32, #tpu.memory_space<vmem>>) dst(%dma_wait3A_184 : memref<8x8x128xf32, #tpu.memory_space<hbm>>)
      } else {
      }
      %get3A = arith.index_cast %add3A_67 : i32 to index
      %get3A_82 = arith.constant 0 : index
      %get3A_83 = tpu.vector_load %arg7[%get3A, %get3A_82] {strides = array<i32>} : memref<64x128xi32, #tpu.memory_space<vmem>>, vector<16xi32>,
      %get3A_84 = arith.index_cast %add3A_67 : i32 to index
      %get3A_85 = arith.constant 16 : index
      %get3A_86 = tpu.vector_load %arg7[%get3A_84, %get3A_85] {strides = array<i32>} : memref<64x128xi32, #tpu.memory_space<vmem>>, vector<16xi32>,
      %get3A_87 = arith.index_cast %add3A_67 : i32 to index
      %get3A_88 = arith.constant 32 : index
      %get3A_89 = tpu.vector_load %arg7[%get3A_87, %get3A_88] {strides = array<i32>} : memref<64x128xi32, #tpu.memory_space<vmem>>, vector<16xi32>,
      %get3A_90 = arith.index_cast %add3A_67 : i32 to index
      %get3A_91 = arith.constant 48 : index
      %get3A_92 = tpu.vector_load %arg7[%get3A_90, %get3A_91] {strides = array<i32>} : memref<64x128xi32, #tpu.memory_space<vmem>>, vector<16xi32>,
      %get3A_93 = arith.index_cast %add3A_67 : i32 to index
      %get3A_94 = arith.constant 64 : index
      %get3A_95 = tpu.vector_load %arg7[%get3A_93, %get3A_94] {strides = array<i32>} : memref<64x128xi32, #tpu.memory_space<vmem>>, vector<16xi32>,
      %get3A_96 = arith.index_cast %add3A_67 : i32 to index
      %get3A_97 = arith.constant 80 : index
      %get3A_98 = tpu.vector_load %arg7[%get3A_96, %get3A_97] {strides = array<i32>} : memref<64x128xi32, #tpu.memory_space<vmem>>, vector<16xi32>,
      %get3A_99 = arith.index_cast %add3A_67 : i32 to index
      %get3A_100 = arith.constant 96 : index
      %get3A_101 = tpu.vector_load %arg7[%get3A_99, %get3A_100] {strides = array<i32>} : memref<64x128xi32, #tpu.memory_space<vmem>>, vector<16xi32>,
      %get3A_102 = arith.index_cast %add3A_67 : i32 to index
      %get3A_103 = arith.constant 112 : index
      %get3A_104 = tpu.vector_load %arg7[%get3A_102, %get3A_103] {strides = array<i32>} : memref<64x128xi32, #tpu.memory_space<vmem>>, vector<16xi32>,
      %parallel_loop3A = arith.constant 0 : i32
      %parallel_loop3A_105 = arith.constant 64 : i32
      %parallel_loop3A_106 = arith.constant 1 : i32
      scf.for %parallel_loop3A_174 = %parallel_loop3A to %parallel_loop3A_105 step %parallel_loop3A_106  : i32 {
        %parallel_loop3A_175 = arith.constant 3 : i32
        %parallel_loop3A_176 = arith.shrui %parallel_loop3A_174, %parallel_loop3A_175 : i32
        %parallel_loop3A_177 = arith.constant 8 : i32
        %parallel_loop3A_178 = arith.remsi %parallel_loop3A_174, %parallel_loop3A_177 : i32
        %parallel_loop3A_179 = vector.broadcast %parallel_loop3A_174 : i32 to vector<16xi32>
        %parallel_loop3A_180 = arith.addi %parallel_loop3A_179, %get3A_83 : vector<16xi32>
        %parallel_loop3A_181 = tpu.vector_load_idx %arg8[%add3A_3, %parallel_loop3A_180] : memref<128x128xf32, #tpu.memory_space<vmem>>[vector<16xi32>, vector<16xi32>], vector<16xf32>,
        %parallel_loop3A_182 = arith.index_cast %parallel_loop3A_176 : i32 to index
        %parallel_loop3A_183 = arith.index_cast %parallel_loop3A_178 : i32 to index
        %parallel_loop3A_184 = arith.constant 0 : index
        %parallel_loop3A_185 = tpu.vector_load %arg10[%parallel_loop3A_182, %parallel_loop3A_183, %parallel_loop3A_184] {strides = array<i32>} : memref<8x8x128xf32, #tpu.memory_space<vmem>>, vector<16xf32>,
        tpu.vector_store %arg10[%parallel_loop3A_182, %parallel_loop3A_183, %parallel_loop3A_184], %parallel_loop3A_181 {strides = array<i32>} : memref<8x8x128xf32, #tpu.memory_space<vmem>>, vector<16xf32>,
        %parallel_loop3A_186 = arith.addi %parallel_loop3A_179, %get3A_86 : vector<16xi32>
        %parallel_loop3A_187 = tpu.vector_load_idx %arg8[%add3A_7, %parallel_loop3A_186] : memref<128x128xf32, #tpu.memory_space<vmem>>[vector<16xi32>, vector<16xi32>], vector<16xf32>,
        %parallel_loop3A_188 = arith.index_cast %parallel_loop3A_176 : i32 to index
        %parallel_loop3A_189 = arith.index_cast %parallel_loop3A_178 : i32 to index
        %parallel_loop3A_190 = arith.constant 16 : index
        %parallel_loop3A_191 = tpu.vector_load %arg10[%parallel_loop3A_188, %parallel_loop3A_189, %parallel_loop3A_190] {strides = array<i32>} : memref<8x8x128xf32, #tpu.memory_space<vmem>>, vector<16xf32>,
        tpu.vector_store %arg10[%parallel_loop3A_188, %parallel_loop3A_189, %parallel_loop3A_190], %parallel_loop3A_187 {strides = array<i32>} : memref<8x8x128xf32, #tpu.memory_space<vmem>>, vector<16xf32>,
        %parallel_loop3A_192 = arith.addi %parallel_loop3A_179, %get3A_89 : vector<16xi32>
        %parallel_loop3A_193 = tpu.vector_load_idx %arg8[%add3A_11, %parallel_loop3A_192] : memref<128x128xf32, #tpu.memory_space<vmem>>[vector<16xi32>, vector<16xi32>], vector<16xf32>,
        %parallel_loop3A_194 = arith.index_cast %parallel_loop3A_176 : i32 to index
        %parallel_loop3A_195 = arith.index_cast %parallel_loop3A_178 : i32 to index
        %parallel_loop3A_196 = arith.constant 32 : index
        %parallel_loop3A_197 = tpu.vector_load %arg10[%parallel_loop3A_194, %parallel_loop3A_195, %parallel_loop3A_196] {strides = array<i32>} : memref<8x8x128xf32, #tpu.memory_space<vmem>>, vector<16xf32>,
        tpu.vector_store %arg10[%parallel_loop3A_194, %parallel_loop3A_195, %parallel_loop3A_196], %parallel_loop3A_193 {strides = array<i32>} : memref<8x8x128xf32, #tpu.memory_space<vmem>>, vector<16xf32>,
        %parallel_loop3A_198 = arith.addi %parallel_loop3A_179, %get3A_92 : vector<16xi32>
        %parallel_loop3A_199 = tpu.vector_load_idx %arg8[%add3A_15, %parallel_loop3A_198] : memref<128x128xf32, #tpu.memory_space<vmem>>[vector<16xi32>, vector<16xi32>], vector<16xf32>,
        %parallel_loop3A_200 = arith.index_cast %parallel_loop3A_176 : i32 to index
        %parallel_loop3A_201 = arith.index_cast %parallel_loop3A_178 : i32 to index
        %parallel_loop3A_202 = arith.constant 48 : index
        %parallel_loop3A_203 = tpu.vector_load %arg10[%parallel_loop3A_200, %parallel_loop3A_201, %parallel_loop3A_202] {strides = array<i32>} : memref<8x8x128xf32, #tpu.memory_space<vmem>>, vector<16xf32>,
        tpu.vector_store %arg10[%parallel_loop3A_200, %parallel_loop3A_201, %parallel_loop3A_202], %parallel_loop3A_199 {strides = array<i32>} : memref<8x8x128xf32, #tpu.memory_space<vmem>>, vector<16xf32>,
        %parallel_loop3A_204 = arith.addi %parallel_loop3A_179, %get3A_95 : vector<16xi32>
        %parallel_loop3A_205 = tpu.vector_load_idx %arg8[%add3A_19, %parallel_loop3A_204] : memref<128x128xf32, #tpu.memory_space<vmem>>[vector<16xi32>, vector<16xi32>], vector<16xf32>,
        %parallel_loop3A_206 = arith.index_cast %parallel_loop3A_176 : i32 to index
        %parallel_loop3A_207 = arith.index_cast %parallel_loop3A_178 : i32 to index
        %parallel_loop3A_208 = arith.constant 64 : index
        %parallel_loop3A_209 = tpu.vector_load %arg10[%parallel_loop3A_206, %parallel_loop3A_207, %parallel_loop3A_208] {strides = array<i32>} : memref<8x8x128xf32, #tpu.memory_space<vmem>>, vector<16xf32>,
        tpu.vector_store %arg10[%parallel_loop3A_206, %parallel_loop3A_207, %parallel_loop3A_208], %parallel_loop3A_205 {strides = array<i32>} : memref<8x8x128xf32, #tpu.memory_space<vmem>>, vector<16xf32>,
        %parallel_loop3A_210 = arith.addi %parallel_loop3A_179, %get3A_98 : vector<16xi32>
        %parallel_loop3A_211 = tpu.vector_load_idx %arg8[%add3A_23, %parallel_loop3A_210] : memref<128x128xf32, #tpu.memory_space<vmem>>[vector<16xi32>, vector<16xi32>], vector<16xf32>,
        %parallel_loop3A_212 = arith.index_cast %parallel_loop3A_176 : i32 to index
        %parallel_loop3A_213 = arith.index_cast %parallel_loop3A_178 : i32 to index
        %parallel_loop3A_214 = arith.constant 80 : index
        %parallel_loop3A_215 = tpu.vector_load %arg10[%parallel_loop3A_212, %parallel_loop3A_213, %parallel_loop3A_214] {strides = array<i32>} : memref<8x8x128xf32, #tpu.memory_space<vmem>>, vector<16xf32>,
        tpu.vector_store %arg10[%parallel_loop3A_212, %parallel_loop3A_213, %parallel_loop3A_214], %parallel_loop3A_211 {strides = array<i32>} : memref<8x8x128xf32, #tpu.memory_space<vmem>>, vector<16xf32>,
        %parallel_loop3A_216 = arith.addi %parallel_loop3A_179, %get3A_101 : vector<16xi32>
        %parallel_loop3A_217 = tpu.vector_load_idx %arg8[%add3A_27, %parallel_loop3A_216] : memref<128x128xf32, #tpu.memory_space<vmem>>[vector<16xi32>, vector<16xi32>], vector<16xf32>,
        %parallel_loop3A_218 = arith.index_cast %parallel_loop3A_176 : i32 to index
        %parallel_loop3A_219 = arith.index_cast %parallel_loop3A_178 : i32 to index
        %parallel_loop3A_220 = arith.constant 96 : index
        %parallel_loop3A_221 = tpu.vector_load %arg10[%parallel_loop3A_218, %parallel_loop3A_219, %parallel_loop3A_220] {strides = array<i32>} : memref<8x8x128xf32, #tpu.memory_space<vmem>>, vector<16xf32>,
        tpu.vector_store %arg10[%parallel_loop3A_218, %parallel_loop3A_219, %parallel_loop3A_220], %parallel_loop3A_217 {strides = array<i32>} : memref<8x8x128xf32, #tpu.memory_space<vmem>>, vector<16xf32>,
        %parallel_loop3A_222 = arith.addi %parallel_loop3A_179, %get3A_104 : vector<16xi32>
        %parallel_loop3A_223 = tpu.vector_load_idx %arg8[%add3A_31, %parallel_loop3A_222] : memref<128x128xf32, #tpu.memory_space<vmem>>[vector<16xi32>, vector<16xi32>], vector<16xf32>,
        %parallel_loop3A_224 = arith.index_cast %parallel_loop3A_176 : i32 to index
        %parallel_loop3A_225 = arith.index_cast %parallel_loop3A_178 : i32 to index
        %parallel_loop3A_226 = arith.constant 112 : index
        %parallel_loop3A_227 = tpu.vector_load %arg10[%parallel_loop3A_224, %parallel_loop3A_225, %parallel_loop3A_226] {strides = array<i32>} : memref<8x8x128xf32, #tpu.memory_space<vmem>>, vector<16xf32>,
        tpu.vector_store %arg10[%parallel_loop3A_224, %parallel_loop3A_225, %parallel_loop3A_226], %parallel_loop3A_223 {strides = array<i32>} : memref<8x8x128xf32, #tpu.memory_space<vmem>>, vector<16xf32>,
      } {sc.loop_unroll_factor = 4 : i64, sc.parallel_access}
      %dma_start3A_107 = arith.constant 0 : i32
      %dma_start3A_108 = arith.constant 0 : i32
      %dma_start3A_109 = arith.constant 0 : i32
      %dma_start3A_110 = tpu.memref_slice %arg5[%add3A_67, %dma_start3A_107, %add3A, %dma_start3A_108, %dma_start3A_109] : memref<50x8x32x8x128xf32, #tpu.memory_space<hbm>> -> memref<1x8x1x8x128xf32, #tpu.memory_space<hbm>>
      %dma_start3A_111 = tpu.memref_squeeze %dma_start3A_110 : memref<1x8x1x8x128xf32, #tpu.memory_space<hbm>> -> memref<8x8x128xf32, #tpu.memory_space<hbm>>
      %dma_start3A_112 = arith.constant 0 : i32
      %dma_start3A_113 = arith.constant 0 : i32
      %dma_start3A_114 = arith.constant 0 : i32
      %dma_start3A_115 = tpu.memref_slice %arg5[%add3A_67, %dma_start3A_112, %add3A, %dma_start3A_113, %dma_start3A_114] : memref<50x8x32x8x128xf32, #tpu.memory_space<hbm>> -> memref<1x8x1x8x128xf32, #tpu.memory_space<hbm>>
      %dma_start3A_116 = tpu.memref_squeeze %dma_start3A_115 : memref<1x8x1x8x128xf32, #tpu.memory_space<hbm>> -> memref<8x8x128xf32, #tpu.memory_space<hbm>>
      tpu.enqueue_dma source(%arg10 : memref<8x8x128xf32, #tpu.memory_space<vmem>>) target(%dma_start3A_116 : memref<8x8x128xf32, #tpu.memory_space<hbm>>) target_semaphore(%arg14 : memref<!tpu.dma_semaphore, #tpu.memory_space<semaphore_mem>>)
      %add3A_117 = arith.constant 1 : i32
      %add3A_118 = arith.addi %add3A_67, %add3A_117 : i32
      %add3A_119 = arith.constant 1 : i32
      %add3A_120 = arith.addi %add3A_118, %add3A_119 : i32
      %lt3A_121 = arith.constant 50 : i32
      %lt3A_122 = arith.cmpi slt, %add3A_120, %lt3A_121 : i32
      %convert_element_type3A_123 = arith.extui %lt3A_122 : i1 to i32
      %cond3A_124 = arith.constant 0 : i32
      %cond3A_125 = arith.cmpi ne, %convert_element_type3A_123, %cond3A_124 : i32
      scf.if %cond3A_125 {
        %add3A_174 = arith.constant 1 : i32
        %add3A_175 = arith.addi %add3A_118, %add3A_174 : i32
        %dma_start3A_176 = arith.constant 0 : i32
        %dma_start3A_177 = tpu.memref_slice %arg6[%add3A_175, %dma_start3A_176] : memref<64x128xi32, #tpu.memory_space<vmem>> -> memref<1x128xi32, #tpu.memory_space<vmem>>
        %dma_start3A_178 = tpu.memref_squeeze %dma_start3A_177 : memref<1x128xi32, #tpu.memory_space<vmem>> -> memref<128xi32, #tpu.memory_space<vmem>>
        %dma_start3A_179 = arith.constant 0 : i32
        %dma_start3A_180 = arith.constant 0 : i32
        %dma_start3A_181 = tpu.memref_slice %arg4[%dma_start3A_179, %dma_start3A_180] : memref<500000x128xf32, #tpu.memory_space<hbm>> -> memref<500000x128xf32, #tpu.memory_space<hbm>>
        tpu.enqueue_indirect_dma source(%dma_start3A_181 : memref<500000x128xf32, #tpu.memory_space<hbm>>) target(%arg8 : memref<128x128xf32, #tpu.memory_space<vmem>>) offsets(%dma_start3A_178 : memref<128xi32, #tpu.memory_space<vmem>>) semaphore(%arg12 : memref<!tpu.dma_semaphore, #tpu.memory_space<semaphore_mem>>)
      } else {
      }
      %dma_wait3A_126 = arith.constant 0 : i32
      %dma_wait3A_127 = tpu.memref_slice %arg6[%add3A_118, %dma_wait3A_126] : memref<64x128xi32, #tpu.memory_space<vmem>> -> memref<1x128xi32, #tpu.memory_space<vmem>>
      %dma_wait3A_128 = tpu.memref_squeeze %dma_wait3A_127 : memref<1x128xi32, #tpu.memory_space<vmem>> -> memref<128xi32, #tpu.memory_space<vmem>>
      %dma_wait3A_129 = arith.constant 0 : i32
      %dma_wait3A_130 = arith.constant 0 : i32
      %dma_wait3A_131 = tpu.memref_slice %arg4[%dma_wait3A_129, %dma_wait3A_130] : memref<500000x128xf32, #tpu.memory_space<hbm>> -> memref<500000x128xf32, #tpu.memory_space<hbm>>
      tpu.wait_indirect_dma semaphore(%arg13 : memref<!tpu.dma_semaphore, #tpu.memory_space<semaphore_mem>>) src(%dma_wait3A_131 : memref<500000x128xf32, #tpu.memory_space<hbm>>) dst(%arg9 : memref<128x128xf32, #tpu.memory_space<vmem>>)
      %ge3A_132 = arith.constant 2 : i32
      %ge3A_133 = arith.cmpi sge, %add3A_118, %ge3A_132 : i32
      %convert_element_type3A_134 = arith.extui %ge3A_133 : i1 to i32
      %cond3A_135 = arith.constant 0 : i32
      %cond3A_136 = arith.cmpi ne, %convert_element_type3A_134, %cond3A_135 : i32
      scf.if %cond3A_136 {
        %sub3A = arith.constant 2 : i32
        %sub3A_174 = arith.subi %add3A_118, %sub3A : i32
        %dma_wait3A_175 = arith.constant 0 : i32
        %dma_wait3A_176 = arith.constant 0 : i32
        %dma_wait3A_177 = arith.constant 0 : i32
        %dma_wait3A_178 = tpu.memref_slice %arg5[%sub3A_174, %dma_wait3A_175, %add3A, %dma_wait3A_176, %dma_wait3A_177] : memref<50x8x32x8x128xf32, #tpu.memory_space<hbm>> -> memref<1x8x1x8x128xf32, #tpu.memory_space<hbm>>
        %dma_wait3A_179 = tpu.memref_squeeze %dma_wait3A_178 : memref<1x8x1x8x128xf32, #tpu.memory_space<hbm>> -> memref<8x8x128xf32, #tpu.memory_space<hbm>>
        %dma_wait3A_180 = arith.constant 0 : i32
        %dma_wait3A_181 = arith.constant 0 : i32
        %dma_wait3A_182 = arith.constant 0 : i32
        %dma_wait3A_183 = tpu.memref_slice %arg5[%sub3A_174, %dma_wait3A_180, %add3A, %dma_wait3A_181, %dma_wait3A_182] : memref<50x8x32x8x128xf32, #tpu.memory_space<hbm>> -> memref<1x8x1x8x128xf32, #tpu.memory_space<hbm>>
        %dma_wait3A_184 = tpu.memref_squeeze %dma_wait3A_183 : memref<1x8x1x8x128xf32, #tpu.memory_space<hbm>> -> memref<8x8x128xf32, #tpu.memory_space<hbm>>
        tpu.wait_dma2 semaphore(%arg15 : memref<!tpu.dma_semaphore, #tpu.memory_space<semaphore_mem>>) src(%arg11 : memref<8x8x128xf32, #tpu.memory_space<vmem>>) dst(%dma_wait3A_184 : memref<8x8x128xf32, #tpu.memory_space<hbm>>)
      } else {
      }
      %get3A_137 = arith.index_cast %add3A_118 : i32 to index
      %get3A_138 = arith.constant 0 : index
      %get3A_139 = tpu.vector_load %arg7[%get3A_137, %get3A_138] {strides = array<i32>} : memref<64x128xi32, #tpu.memory_space<vmem>>, vector<16xi32>,
      %get3A_140 = arith.index_cast %add3A_118 : i32 to index
      %get3A_141 = arith.constant 16 : index
      %get3A_142 = tpu.vector_load %arg7[%get3A_140, %get3A_141] {strides = array<i32>} : memref<64x128xi32, #tpu.memory_space<vmem>>, vector<16xi32>,
      %get3A_143 = arith.index_cast %add3A_118 : i32 to index
      %get3A_144 = arith.constant 32 : index
      %get3A_145 = tpu.vector_load %arg7[%get3A_143, %get3A_144] {strides = array<i32>} : memref<64x128xi32, #tpu.memory_space<vmem>>, vector<16xi32>,
      %get3A_146 = arith.index_cast %add3A_118 : i32 to index
      %get3A_147 = arith.constant 48 : index
      %get3A_148 = tpu.vector_load %arg7[%get3A_146, %get3A_147] {strides = array<i32>} : memref<64x128xi32, #tpu.memory_space<vmem>>, vector<16xi32>,
      %get3A_149 = arith.index_cast %add3A_118 : i32 to index
      %get3A_150 = arith.constant 64 : index
      %get3A_151 = tpu.vector_load %arg7[%get3A_149, %get3A_150] {strides = array<i32>} : memref<64x128xi32, #tpu.memory_space<vmem>>, vector<16xi32>,
      %get3A_152 = arith.index_cast %add3A_118 : i32 to index
      %get3A_153 = arith.constant 80 : index
      %get3A_154 = tpu.vector_load %arg7[%get3A_152, %get3A_153] {strides = array<i32>} : memref<64x128xi32, #tpu.memory_space<vmem>>, vector<16xi32>,
      %get3A_155 = arith.index_cast %add3A_118 : i32 to index
      %get3A_156 = arith.constant 96 : index
      %get3A_157 = tpu.vector_load %arg7[%get3A_155, %get3A_156] {strides = array<i32>} : memref<64x128xi32, #tpu.memory_space<vmem>>, vector<16xi32>,
      %get3A_158 = arith.index_cast %add3A_118 : i32 to index
      %get3A_159 = arith.constant 112 : index
      %get3A_160 = tpu.vector_load %arg7[%get3A_158, %get3A_159] {strides = array<i32>} : memref<64x128xi32, #tpu.memory_space<vmem>>, vector<16xi32>,
      %parallel_loop3A_161 = arith.constant 0 : i32
      %parallel_loop3A_162 = arith.constant 64 : i32
      %parallel_loop3A_163 = arith.constant 1 : i32
      scf.for %parallel_loop3A_174 = %parallel_loop3A_161 to %parallel_loop3A_162 step %parallel_loop3A_163  : i32 {
        %parallel_loop3A_175 = arith.constant 3 : i32
        %parallel_loop3A_176 = arith.shrui %parallel_loop3A_174, %parallel_loop3A_175 : i32
        %parallel_loop3A_177 = arith.constant 8 : i32
        %parallel_loop3A_178 = arith.remsi %parallel_loop3A_174, %parallel_loop3A_177 : i32
        %parallel_loop3A_179 = vector.broadcast %parallel_loop3A_174 : i32 to vector<16xi32>
        %parallel_loop3A_180 = arith.addi %parallel_loop3A_179, %get3A_139 : vector<16xi32>
        %parallel_loop3A_181 = tpu.vector_load_idx %arg9[%add3A_3, %parallel_loop3A_180] : memref<128x128xf32, #tpu.memory_space<vmem>>[vector<16xi32>, vector<16xi32>], vector<16xf32>,
        %parallel_loop3A_182 = arith.index_cast %parallel_loop3A_176 : i32 to index
        %parallel_loop3A_183 = arith.index_cast %parallel_loop3A_178 : i32 to index
        %parallel_loop3A_184 = arith.constant 0 : index
        %parallel_loop3A_185 = tpu.vector_load %arg11[%parallel_loop3A_182, %parallel_loop3A_183, %parallel_loop3A_184] {strides = array<i32>} : memref<8x8x128xf32, #tpu.memory_space<vmem>>, vector<16xf32>,
        tpu.vector_store %arg11[%parallel_loop3A_182, %parallel_loop3A_183, %parallel_loop3A_184], %parallel_loop3A_181 {strides = array<i32>} : memref<8x8x128xf32, #tpu.memory_space<vmem>>, vector<16xf32>,
        %parallel_loop3A_186 = arith.addi %parallel_loop3A_179, %get3A_142 : vector<16xi32>
        %parallel_loop3A_187 = tpu.vector_load_idx %arg9[%add3A_7, %parallel_loop3A_186] : memref<128x128xf32, #tpu.memory_space<vmem>>[vector<16xi32>, vector<16xi32>], vector<16xf32>,
        %parallel_loop3A_188 = arith.index_cast %parallel_loop3A_176 : i32 to index
        %parallel_loop3A_189 = arith.index_cast %parallel_loop3A_178 : i32 to index
        %parallel_loop3A_190 = arith.constant 16 : index
        %parallel_loop3A_191 = tpu.vector_load %arg11[%parallel_loop3A_188, %parallel_loop3A_189, %parallel_loop3A_190] {strides = array<i32>} : memref<8x8x128xf32, #tpu.memory_space<vmem>>, vector<16xf32>,
        tpu.vector_store %arg11[%parallel_loop3A_188, %parallel_loop3A_189, %parallel_loop3A_190], %parallel_loop3A_187 {strides = array<i32>} : memref<8x8x128xf32, #tpu.memory_space<vmem>>, vector<16xf32>,
        %parallel_loop3A_192 = arith.addi %parallel_loop3A_179, %get3A_145 : vector<16xi32>
        %parallel_loop3A_193 = tpu.vector_load_idx %arg9[%add3A_11, %parallel_loop3A_192] : memref<128x128xf32, #tpu.memory_space<vmem>>[vector<16xi32>, vector<16xi32>], vector<16xf32>,
        %parallel_loop3A_194 = arith.index_cast %parallel_loop3A_176 : i32 to index
        %parallel_loop3A_195 = arith.index_cast %parallel_loop3A_178 : i32 to index
        %parallel_loop3A_196 = arith.constant 32 : index
        %parallel_loop3A_197 = tpu.vector_load %arg11[%parallel_loop3A_194, %parallel_loop3A_195, %parallel_loop3A_196] {strides = array<i32>} : memref<8x8x128xf32, #tpu.memory_space<vmem>>, vector<16xf32>,
        tpu.vector_store %arg11[%parallel_loop3A_194, %parallel_loop3A_195, %parallel_loop3A_196], %parallel_loop3A_193 {strides = array<i32>} : memref<8x8x128xf32, #tpu.memory_space<vmem>>, vector<16xf32>,
        %parallel_loop3A_198 = arith.addi %parallel_loop3A_179, %get3A_148 : vector<16xi32>
        %parallel_loop3A_199 = tpu.vector_load_idx %arg9[%add3A_15, %parallel_loop3A_198] : memref<128x128xf32, #tpu.memory_space<vmem>>[vector<16xi32>, vector<16xi32>], vector<16xf32>,
        %parallel_loop3A_200 = arith.index_cast %parallel_loop3A_176 : i32 to index
        %parallel_loop3A_201 = arith.index_cast %parallel_loop3A_178 : i32 to index
        %parallel_loop3A_202 = arith.constant 48 : index
        %parallel_loop3A_203 = tpu.vector_load %arg11[%parallel_loop3A_200, %parallel_loop3A_201, %parallel_loop3A_202] {strides = array<i32>} : memref<8x8x128xf32, #tpu.memory_space<vmem>>, vector<16xf32>,
        tpu.vector_store %arg11[%parallel_loop3A_200, %parallel_loop3A_201, %parallel_loop3A_202], %parallel_loop3A_199 {strides = array<i32>} : memref<8x8x128xf32, #tpu.memory_space<vmem>>, vector<16xf32>,
        %parallel_loop3A_204 = arith.addi %parallel_loop3A_179, %get3A_151 : vector<16xi32>
        %parallel_loop3A_205 = tpu.vector_load_idx %arg9[%add3A_19, %parallel_loop3A_204] : memref<128x128xf32, #tpu.memory_space<vmem>>[vector<16xi32>, vector<16xi32>], vector<16xf32>,
        %parallel_loop3A_206 = arith.index_cast %parallel_loop3A_176 : i32 to index
        %parallel_loop3A_207 = arith.index_cast %parallel_loop3A_178 : i32 to index
        %parallel_loop3A_208 = arith.constant 64 : index
        %parallel_loop3A_209 = tpu.vector_load %arg11[%parallel_loop3A_206, %parallel_loop3A_207, %parallel_loop3A_208] {strides = array<i32>} : memref<8x8x128xf32, #tpu.memory_space<vmem>>, vector<16xf32>,
        tpu.vector_store %arg11[%parallel_loop3A_206, %parallel_loop3A_207, %parallel_loop3A_208], %parallel_loop3A_205 {strides = array<i32>} : memref<8x8x128xf32, #tpu.memory_space<vmem>>, vector<16xf32>,
        %parallel_loop3A_210 = arith.addi %parallel_loop3A_179, %get3A_154 : vector<16xi32>
        %parallel_loop3A_211 = tpu.vector_load_idx %arg9[%add3A_23, %parallel_loop3A_210] : memref<128x128xf32, #tpu.memory_space<vmem>>[vector<16xi32>, vector<16xi32>], vector<16xf32>,
        %parallel_loop3A_212 = arith.index_cast %parallel_loop3A_176 : i32 to index
        %parallel_loop3A_213 = arith.index_cast %parallel_loop3A_178 : i32 to index
        %parallel_loop3A_214 = arith.constant 80 : index
        %parallel_loop3A_215 = tpu.vector_load %arg11[%parallel_loop3A_212, %parallel_loop3A_213, %parallel_loop3A_214] {strides = array<i32>} : memref<8x8x128xf32, #tpu.memory_space<vmem>>, vector<16xf32>,
        tpu.vector_store %arg11[%parallel_loop3A_212, %parallel_loop3A_213, %parallel_loop3A_214], %parallel_loop3A_211 {strides = array<i32>} : memref<8x8x128xf32, #tpu.memory_space<vmem>>, vector<16xf32>,
        %parallel_loop3A_216 = arith.addi %parallel_loop3A_179, %get3A_157 : vector<16xi32>
        %parallel_loop3A_217 = tpu.vector_load_idx %arg9[%add3A_27, %parallel_loop3A_216] : memref<128x128xf32, #tpu.memory_space<vmem>>[vector<16xi32>, vector<16xi32>], vector<16xf32>,
        %parallel_loop3A_218 = arith.index_cast %parallel_loop3A_176 : i32 to index
        %parallel_loop3A_219 = arith.index_cast %parallel_loop3A_178 : i32 to index
        %parallel_loop3A_220 = arith.constant 96 : index
        %parallel_loop3A_221 = tpu.vector_load %arg11[%parallel_loop3A_218, %parallel_loop3A_219, %parallel_loop3A_220] {strides = array<i32>} : memref<8x8x128xf32, #tpu.memory_space<vmem>>, vector<16xf32>,
        tpu.vector_store %arg11[%parallel_loop3A_218, %parallel_loop3A_219, %parallel_loop3A_220], %parallel_loop3A_217 {strides = array<i32>} : memref<8x8x128xf32, #tpu.memory_space<vmem>>, vector<16xf32>,
        %parallel_loop3A_222 = arith.addi %parallel_loop3A_179, %get3A_160 : vector<16xi32>
        %parallel_loop3A_223 = tpu.vector_load_idx %arg9[%add3A_31, %parallel_loop3A_222] : memref<128x128xf32, #tpu.memory_space<vmem>>[vector<16xi32>, vector<16xi32>], vector<16xf32>,
        %parallel_loop3A_224 = arith.index_cast %parallel_loop3A_176 : i32 to index
        %parallel_loop3A_225 = arith.index_cast %parallel_loop3A_178 : i32 to index
        %parallel_loop3A_226 = arith.constant 112 : index
        %parallel_loop3A_227 = tpu.vector_load %arg11[%parallel_loop3A_224, %parallel_loop3A_225, %parallel_loop3A_226] {strides = array<i32>} : memref<8x8x128xf32, #tpu.memory_space<vmem>>, vector<16xf32>,
        tpu.vector_store %arg11[%parallel_loop3A_224, %parallel_loop3A_225, %parallel_loop3A_226], %parallel_loop3A_223 {strides = array<i32>} : memref<8x8x128xf32, #tpu.memory_space<vmem>>, vector<16xf32>,
      } {sc.loop_unroll_factor = 4 : i64, sc.parallel_access}
      %dma_start3A_164 = arith.constant 0 : i32
      %dma_start3A_165 = arith.constant 0 : i32
      %dma_start3A_166 = arith.constant 0 : i32
      %dma_start3A_167 = tpu.memref_slice %arg5[%add3A_118, %dma_start3A_164, %add3A, %dma_start3A_165, %dma_start3A_166] : memref<50x8x32x8x128xf32, #tpu.memory_space<hbm>> -> memref<1x8x1x8x128xf32, #tpu.memory_space<hbm>>
      %dma_start3A_168 = tpu.memref_squeeze %dma_start3A_167 : memref<1x8x1x8x128xf32, #tpu.memory_space<hbm>> -> memref<8x8x128xf32, #tpu.memory_space<hbm>>
      %dma_start3A_169 = arith.constant 0 : i32
      %dma_start3A_170 = arith.constant 0 : i32
      %dma_start3A_171 = arith.constant 0 : i32
      %dma_start3A_172 = tpu.memref_slice %arg5[%add3A_118, %dma_start3A_169, %add3A, %dma_start3A_170, %dma_start3A_171] : memref<50x8x32x8x128xf32, #tpu.memory_space<hbm>> -> memref<1x8x1x8x128xf32, #tpu.memory_space<hbm>>
      %dma_start3A_173 = tpu.memref_squeeze %dma_start3A_172 : memref<1x8x1x8x128xf32, #tpu.memory_space<hbm>> -> memref<8x8x128xf32, #tpu.memory_space<hbm>>
      tpu.enqueue_dma source(%arg11 : memref<8x8x128xf32, #tpu.memory_space<vmem>>) target(%dma_start3A_173 : memref<8x8x128xf32, #tpu.memory_space<hbm>>) target_semaphore(%arg15 : memref<!tpu.dma_semaphore, #tpu.memory_space<semaphore_mem>>)
    }
    %scan3A_41 = arith.constant 25 : i32
    %dma_wait3A = arith.constant 48 : i32
    %dma_wait3A_42 = arith.constant 0 : i32
    %dma_wait3A_43 = arith.constant 0 : i32
    %dma_wait3A_44 = arith.constant 0 : i32
    %dma_wait3A_45 = tpu.memref_slice %arg5[%dma_wait3A, %dma_wait3A_42, %add3A, %dma_wait3A_43, %dma_wait3A_44] : memref<50x8x32x8x128xf32, #tpu.memory_space<hbm>> -> memref<1x8x1x8x128xf32, #tpu.memory_space<hbm>>
    %dma_wait3A_46 = tpu.memref_squeeze %dma_wait3A_45 : memref<1x8x1x8x128xf32, #tpu.memory_space<hbm>> -> memref<8x8x128xf32, #tpu.memory_space<hbm>>
    %dma_wait3A_47 = arith.constant 0 : i32
    %dma_wait3A_48 = arith.constant 0 : i32
    %dma_wait3A_49 = arith.constant 0 : i32
    %dma_wait3A_50 = tpu.memref_slice %arg5[%dma_wait3A, %dma_wait3A_47, %add3A, %dma_wait3A_48, %dma_wait3A_49] : memref<50x8x32x8x128xf32, #tpu.memory_space<hbm>> -> memref<1x8x1x8x128xf32, #tpu.memory_space<hbm>>
    %dma_wait3A_51 = tpu.memref_squeeze %dma_wait3A_50 : memref<1x8x1x8x128xf32, #tpu.memory_space<hbm>> -> memref<8x8x128xf32, #tpu.memory_space<hbm>>
    tpu.wait_dma2 semaphore(%arg14 : memref<!tpu.dma_semaphore, #tpu.memory_space<semaphore_mem>>) src(%arg10 : memref<8x8x128xf32, #tpu.memory_space<vmem>>) dst(%dma_wait3A_51 : memref<8x8x128xf32, #tpu.memory_space<hbm>>)
    %dma_wait3A_52 = arith.constant 49 : i32
    %dma_wait3A_53 = arith.constant 0 : i32
    %dma_wait3A_54 = arith.constant 0 : i32
    %dma_wait3A_55 = arith.constant 0 : i32
    %dma_wait3A_56 = tpu.memref_slice %arg5[%dma_wait3A_52, %dma_wait3A_53, %add3A, %dma_wait3A_54, %dma_wait3A_55] : memref<50x8x32x8x128xf32, #tpu.memory_space<hbm>> -> memref<1x8x1x8x128xf32, #tpu.memory_space<hbm>>
    %dma_wait3A_57 = tpu.memref_squeeze %dma_wait3A_56 : memref<1x8x1x8x128xf32, #tpu.memory_space<hbm>> -> memref<8x8x128xf32, #tpu.memory_space<hbm>>
    %dma_wait3A_58 = arith.constant 0 : i32
    %dma_wait3A_59 = arith.constant 0 : i32
    %dma_wait3A_60 = arith.constant 0 : i32
    %dma_wait3A_61 = tpu.memref_slice %arg5[%dma_wait3A_52, %dma_wait3A_58, %add3A, %dma_wait3A_59, %dma_wait3A_60] : memref<50x8x32x8x128xf32, #tpu.memory_space<hbm>> -> memref<1x8x1x8x128xf32, #tpu.memory_space<hbm>>
    %dma_wait3A_62 = tpu.memref_squeeze %dma_wait3A_61 : memref<1x8x1x8x128xf32, #tpu.memory_space<hbm>> -> memref<8x8x128xf32, #tpu.memory_space<hbm>>
    tpu.wait_dma2 semaphore(%arg15 : memref<!tpu.dma_semaphore, #tpu.memory_space<semaphore_mem>>) src(%arg11 : memref<8x8x128xf32, #tpu.memory_space<vmem>>) dst(%dma_wait3A_62 : memref<8x8x128xf32, #tpu.memory_space<hbm>>)
    return
  }
}

module attributes {stable_mosaic.version = 14 : i64} {
  func.func @_pack_body(%arg0: i32, %arg1: memref<64x8192xf32, #tpu.memory_space<vmem>>, %arg2: memref<4096x128xf32, #tpu.memory_space<vmem>>) attributes {dimension_semantics = [#tpu.dimension_semantics<arbitrary>], iteration_bounds = array<i64: 123>, scalar_prefetch = 0 : i64, scratch_operands = 0 : i64, tpu.core_type = #tpu.core_type<tc>, window_params = [{transform_indices = @transform_0, window_bounds = array<i64: 64, 8192>}, {transform_indices = @transform_1, window_bounds = array<i64: 4096, 128>}]} {
    %get3A = arith.constant 0 : index
    %get3A_0 = arith.constant 0 : index
    %get3A_1 = vector.load %arg1[%get3A, %get3A_0] : memref<64x8192xf32, #tpu.memory_space<vmem>>, vector<64x8192xf32>
    %transpose3A = tpu.transpose %get3A_1, [1, 0] : vector<64x8192xf32> -> vector<8192x64xf32>
    %reshape3A = vector.shape_cast %transpose3A : vector<8192x64xf32> to vector<4096x2x64xf32>
    %slice3A = vector.extract_strided_slice %reshape3A {offsets = [0, 0, 0], sizes = [4096, 1, 64], strides = [1, 1, 1]} : vector<4096x2x64xf32> to vector<4096x1x64xf32>
    %squeeze3A = vector.shape_cast %slice3A : vector<4096x1x64xf32> to vector<4096x64xf32>
    %slice3A_2 = vector.extract_strided_slice %reshape3A {offsets = [0, 1, 0], sizes = [4096, 1, 64], strides = [1, 1, 1]} : vector<4096x2x64xf32> to vector<4096x1x64xf32>
    %squeeze3A_3 = vector.shape_cast %slice3A_2 : vector<4096x1x64xf32> to vector<4096x64xf32>
    %concatenate3A = tpu.concatenate %squeeze3A, %squeeze3A_3 in 1 : vector<4096x64xf32>, vector<4096x64xf32> -> vector<4096x128xf32>
    %swap3A = arith.constant 0 : index
    %swap3A_4 = arith.constant 0 : index
    %swap3A_5 = vector.load %arg2[%swap3A, %swap3A_4] : memref<4096x128xf32, #tpu.memory_space<vmem>>, vector<4096x128xf32>
    tpu.vector_store %arg2[%swap3A, %swap3A_4], %concatenate3A {strides = array<i32>} : memref<4096x128xf32, #tpu.memory_space<vmem>>, vector<4096x128xf32>,
    return
  }
  func.func @transform_0(%arg0: i32) -> (i32, i32) {
    %c0_i32 = arith.constant 0 : i32
    %c0_i32_0 = arith.constant 0 : i32
    return %c0_i32, %arg0 : i32, i32
  }
  func.func @transform_1(%arg0: i32) -> (i32, i32) {
    %c0_i32 = arith.constant 0 : i32
    %c0_i32_0 = arith.constant 0 : i32
    return %arg0, %c0_i32 : i32, i32
  }
}

</mosaic_0001>

<sc_bundles>
// kernel: kernel.4.cloned.1.call-start
scs
__scs_entry_jumppad:
0x0: {  	(pc) =	sbr.rel $0x88, $3  }
0x1: {  	(tag) =	ssettag $0x0;
	lr =	simm.s32 $0x1  }
0x2: {  	[smem:$0x3F9F] =	sst lr;
	_ =	strace $0xD0000000  }
0x3: {  	_ = 	snop  }
0x4: {  	_ = 	snop  }
0x5: {  	_ = 	snop  }
0x6: {  	_ = 	snop  }
0x7: {  	_ = 	snop  }
__scs_overlays_trampoline_lowered:
0x8: {  	[smem:$0x3FAE] =	sst s0  }
0x9: {  	[smem:$0x3FAF] =	sst s1  }
0xa: {  	[smem:$0x3FB0] =	sst s2  }
0xb: {  	[smem:$0x3FB1] =	sst s3  }
0xc: {  	[smem:$0x3FB2] =	sst s4  }
0xd: {  	[smem:$0x3FB3] =	sst s5  }
0xe: {  	[smem:$0x3FB4] =	sst s6  }
0xf: {  	[smem:$0x3FB5] =	sst s7  }
0x10: {  	[smem:$0x3FB6] =	sst s8  }
0x11: {  	[smem:$0x3FB7] =	sst s9;
	s0 =	simm.s32 @!p0 $0x0  }
0x12: {  	s1 =	sld [smem:$0x3F9D];
	s0 =	simm.s32 @p0 $0x1  }
0x13: {  	[smem:$0x3FB8] =	sst s0;
	s0 =	simm.s32 @!p1 $0x0  }
0x14: {  	s2 =	sld [smem:$0x3F9C];
	s0 =	simm.s32 @p1 $0x1  }
0x15: {  	[smem:$0x3FB9] =	sst s0;
	s0 =	simm.s32 @!p2 $0x0  }
0x16: {  	s3 =	sld [smem:$0x3FDB];
	s0 =	simm.s32 @p2 $0x1  }
0x17: {  	s4 =	simm.s32 $0x1BF5;
	[smem:$0x3FBB] =	sst s0  }
0x18: {  	s0 =	sld [smem:$0x3F9E];
	_ =	swait.ge [sflag:s4], $0x0  }
0x19: {  	s7 =	sld [smem:$0x3F9F]  }
0x1a: {  	s8 =	sadd.s32 $0xFFFFE003, lr  }
0x1b: {  	s9 =	sadd.s32 $0xFFFFFEF7, lr;
	s5 =	simm.s32 $0xFFFFFFFF;
	p2 =	slt.u32 s8, $0xFFFFF086  }
0x1c: {  	p1 =	slt.u32 s9, $0xF7A;
	s5 =	simm.s32 @!p2 $0x0  }
0x1d: {  	s5 =	simm.s32 @p1 $0x1;
	p0 =	seq.s32 s7, s2  }
0x1e: {  	s7 =	smul.u32 @!p0 $0xF7A, s2;
	p2 =	seq.s32 @!p0 s5, $0x0  }
0x1f: {  	s9 =	smul.u32 $0xF7A, s1;
	s8 =	simm.s32 @!p0 $0x1BF5;
	p2 =	por !p2, p0  }
0x20: {  	[sflag:s8] =	ssyncset.s32 @!p0 $0xFFFFF086;
	s6 =	sadd.s32 @!p0 s3, s7;
	s7 =	simm.s32 @!p0 $0x108  }
0x21: {  	s3 =	sadd.s32 s3, s9;
	s6 =	sadd.s32 @!p0 $0x88, s6;
	s7 =	simm.s32 @p2 $0x1082  }
0x22: {  	[simem:s7], [sflag:s8] =	dma.local @!p0 [hbm:s6], $0xF7A  }
0x23: {  	s9 =	sor.u32 $0xD0000000, s2;
	s6 =	simm.s32 $0x108;
	_ =	swait.ge @!p0 [sflag:s8], $0x0  }
0x24: {  	s3 =	sadd.s32 $0x88, s3;
	s6 =	simm.s32 @!p1 $0x1082;
	[sflag:s4] =	ssyncset.s32 $0xFFFFF086  }
0x25: {  	[simem:s6], [sflag:s4] =	dma.local [hbm:s3], $0xF7A  }
0x26: {  	[smem:$0x3F9F] =	sst s1;
	(tag) =	ssettag s2;
	_ =	strace s9  }
0x27: {  	s1 =	sld [smem:$0x3FAF]  }
0x28: {  	s2 =	sld [smem:$0x3FB0]  }
0x29: {  	s4 =	sld [smem:$0x3FB2]  }
0x2a: {  	p0 =	seq.s32 s5, $0x0;
	s5 =	sld [smem:$0x3FB3]  }
0x2b: {  	s6 =	sld [smem:$0x3FB4]  }
0x2c: {  	s7 =	sld [smem:$0x3FB5]  }
0x2d: {  	s3 =	simm.s32 $0x108;
	s8 =	sld [smem:$0x3FB6]  }
0x2e: {  	s3 =	simm.s32 @!p0 $0x1082;
	s9 =	sld [smem:$0x3FB7]  }
0x2f: {  	lr =	sadd.s32 s0, s3;
	s0 =	sld [smem:$0x3FAE]  }
0x30: {  	s3 =	sld [smem:$0x3FB1]  }
0x31: {  	[smem:$0x3FBA] =	sst s10  }
0x32: {  	s10 =	sld [smem:$0x3FB8];
	_ =	sdelay $0x3  }
0x33: {  	p0 =	seq.s32 s10, $0x1;
	s10 =	sld [smem:$0x3FBA];
	_ =	sdelay $0x3  }
0x34: {  	[smem:$0x3FBA] =	sst s10  }
0x35: {  	s10 =	sld [smem:$0x3FB9];
	_ =	sdelay $0x3  }
0x36: {  	p1 =	seq.s32 s10, $0x1;
	s10 =	sld [smem:$0x3FBA];
	_ =	sdelay $0x3  }
0x37: {  	[smem:$0x3FBA] =	sst s10  }
0x38: {  	s10 =	sld [smem:$0x3FBB]  }
0x39: {  	_ = 	snop;
	(pc) =	sbr.ind lr, $3  }
0x3a: {  	_ = 	snop  }
0x3b: {  	_ = 	snop  }
0x3c: {  	p2 =	seq.s32 s10, $0x1;
	s10 =	sld [smem:$0x3FBA]  }
0x3d: {  	_ =	shalt  }
0x3e: {  	_ =	shalt  }
0x3f: {  	_ =	shalt  }
0x40: {  	_ =	shalt  }
0x41: {  	_ =	shalt  }
0x42: {  	_ =	shalt  }
0x43: {  	_ =	shalt  }
0x44: {  	_ =	shalt  }
0x45: {  	_ =	shalt  }
0x46: {  	_ =	shalt  }
0x47: {  	_ =	shalt  }
0x48: {  	_ =	shalt  }
0x49: {  	_ =	shalt  }
0x4a: {  	_ =	shalt  }
0x4b: {  	_ =	shalt  }
0x4c: {  	_ =	shalt  }
0x4d: {  	_ =	shalt  }
0x4e: {  	_ =	shalt  }
0x4f: {  	_ =	shalt  }
0x50: {  	_ =	shalt  }
0x51: {  	_ =	shalt  }
0x52: {  	_ =	shalt  }
0x53: {  	_ =	shalt  }
0x54: {  	_ =	shalt  }
0x55: {  	_ =	shalt  }
0x56: {  	_ =	shalt  }
0x57: {  	_ =	shalt  }
0x58: {  	_ =	shalt  }
0x59: {  	_ =	shalt  }
0x5a: {  	_ =	shalt  }
0x5b: {  	_ =	shalt  }
0x5c: {  	_ =	shalt  }
0x5d: {  	_ =	shalt  }
0x5e: {  	_ =	shalt  }
0x5f: {  	_ =	shalt  }
0x60: {  	_ =	shalt  }
0x61: {  	_ =	shalt  }
0x62: {  	_ =	shalt  }
0x63: {  	_ =	shalt  }
0x64: {  	_ =	shalt  }
0x65: {  	_ =	shalt  }
0x66: {  	_ =	shalt  }
0x67: {  	_ =	shalt  }
0x68: {  	_ =	shalt  }
0x69: {  	_ =	shalt  }
0x6a: {  	_ =	shalt  }
0x6b: {  	_ =	shalt  }
0x6c: {  	_ =	shalt  }
0x6d: {  	_ =	shalt  }
0x6e: {  	_ =	shalt  }
0x6f: {  	_ =	shalt  }
0x70: {  	_ =	shalt  }
0x71: {  	_ =	shalt  }
0x72: {  	_ =	shalt  }
0x73: {  	_ =	shalt  }
0x74: {  	_ =	shalt  }
0x75: {  	_ =	shalt  }
0x76: {  	_ =	shalt  }
0x77: {  	_ =	shalt  }
0x78: {  	_ =	shalt  }
0x79: {  	_ =	shalt  }
0x7a: {  	_ =	shalt  }
0x7b: {  	_ =	shalt  }
0x7c: {  	_ =	shalt  }
0x7d: {  	_ =	shalt  }
0x7e: {  	_ =	shalt  }
0x7f: {  	_ =	shalt  }
0x80: {  	_ =	shalt  }
0x81: {  	_ =	shalt  }
0x82: {  	_ =	shalt  }
0x83: {  	_ =	shalt  }
0x84: {  	_ =	shalt  }
0x85: {  	_ =	shalt  }
0x86: {  	_ =	shalt  }
0x87: {  	_ =	shalt  }
.Lfunc_end0:
.L_simem_size_0:
called_computation_lowered:
.L_overlay_start_0:
0x88: {  	s2 =	sld [smem:$0x3FD9]  }
0x89: {  	s3 =	sld [smem:$0x3FFE];
	_ =	sdelay $0x1  }
0x8a: {  	s1 =	srdreg.scid  }
0x8b: {  	s0 =	sand.u32 $0x1, s1  }
0x8c: {  	s17 =	sshll.u32 s0, $0xA;
	s2 =	sadd.s32 s3, s2  }
0x8d: {  	s2 =	sadd.s32 s2, s17  }
0x8e: {  	[smem:$0x3FC6] =	sst s2  }
0x8f: {  	_ = 	snop  }
0x90: {  	s2 =	sld [smem:$0x3FD0];
	(tm) =	ssettm $0x1  }
0x91: {  	s18 =	sld [smem:$0x3FFB];
	_ =	sdelay $0x3  }
0x92: {  	_ =	strace s18  }
0x93: {  	s3 =	sld [smem:$0x3FFC];
	_ =	sdelay $0x3  }
0x94: {  	_ =	strace s3  }
0x95: {  	s3 =	sld [smem:$0x3FFD];
	_ =	sdelay $0x3  }
0x96: {  	_ =	strace s3  }
0x97: {  	_ =	strace $0x8FFFFFFF  }
0x98: {  	s19 =	sld [smem:$0x3FDB];
	_ =	sdelay $0x1  }
0x99: {  	s4 =	simm.s32 $_scs_section_size  }
0x9a: {  	s5 =	simm.s32 $_size__tile_overlayer_lowered;
	s6 =	simm.s32 $_tile_overlayer_lowered  }
0x9b: {  	s22 =	simm.s32 $0x1BFF;
	s21 =	sshll.u32 s6, $0x1;
	s3 =	sadd.s32 s4, s19  }
0x9c: {  	s7 =	simm.s32 $0x0;
	s20 =	sshll.u32 s5, $0x1;
	s5 =	sadd.s32 s21, s3  }
0x9d: {  	[timem:s7], [sflag:s22] =	dma.local [hbm:s5], s20  }
0x9e: {  	_ =	swait.ge [sflag:s22], s20  }
0x9f: {  	s4 =	ssub.s32 $0x0, s20;
	[sflag:s22] =	ssyncset.done $0x0  }
0xa0: {  	[sflag:s22] =	ssyncadd.s32 s4;
	_ =	sdelay $0x1  }
0xa1: {  	s23 =	simm.s32 $0x1B8B  }
0xa2: {  	_ =	swait.ge [sflag:s23], $0x1  }
0xa3: {  	[sflag:s23] =	ssyncset.done $0x0  }
0xa4: {  	s25 =	simm.s32 $0x1B8E;
	s24 =	sld [smem:$0x3FFE];
	[sflag:s23] =	ssyncadd.s32 $0xFFFFFFFF  }
0xa5: {  	s26 =	simm.s32 $execute0_lowered;
	[smem:$0x3FD2] =	sst s25  }
0xa6: {  	s5 =	sshll.u32 s26, $0x1;
	_ =	strace $0x80000046;
	[dreg:$0x1] =	wrdreg $0xFFFFFFFF  }
0xa7: {  	s28 =	simm.s32 $_size_execute0_lowered;
	s3 =	sadd.s32 s3, s5;
	[dreg:$0x0] =	wrdreg $0x0  }
0xa8: {  	s5 =	sshll.u32 s28, $0x1;
	[dreg:$0x2] =	wrdreg s3  }
0xa9: {  	[dreg:$0x3] =	wrdreg s5  }
0xaa: {  	[dreg:$0x4] =	wrdreg $0xC0  }
0xab: {  	_ =	task [dreg:s7], $0x5FFFF  }
0xac: {  	[dreg:$0x1] =	wrdreg $0xFFFFFFFF  }
0xad: {  	[dreg:$0x0] =	wrdreg $0x60  }
0xae: {  	[dreg:$0x2] =	wrdreg s24  }
0xaf: {  	[dreg:$0x3] =	wrdreg s2  }
0xb0: {  	[dreg:$0x4] =	wrdreg $0x9  }
0xb1: {  	_ =	task.clear_ibuf [dreg:s7], $0x5FFFF;
	_ =	strace $0x90000046  }
0xb2: {  	s29 =	simm.s32 $0x9;
	_ =	strace $0x80000048  }
0xb3: {  	_ =	swait.ge [sflag:s29], $0x1  }
0xb4: {  	[sflag:s29] =	ssyncadd.s32 $0xFFFFFFFF  }
0xb5: {  	_ =	strace $0x90000048  }
0xb6: {  	_ =	sfence  }
0xb7: {  	s30 =	sld [smem:$0x0];
	_ =	sdelay $0x2  }
0xb8: {  	s31 =	sshll.u32 s1, $0xD;
	s1 =	sshrl.u32 s1, $0x2  }
0xb9: {  	s3 =	sand.u32 $0x4000, s31;
	s1 =	sadd.s32 s1, s30  }
0xba: {  	s0 =	sor.u32 s3, s0;
	s1 =	sshll.u32 s1, $0x11  }
0xbb: {  	s0 =	sor.u32 s1, s0  }
0xbc: {  	s0 =	sadd.s32 $0x8F2B, s0  }
0xbd: {  	[sflag:s0] =	ssyncadd.remote.s32 $0x1  }
0xbe: {  	_ =	sfence.sel $0xFFFF  }
0xbf: {  	[dreg:$0x0] =	wrdreg $0xFFFFFFFF;
	(pc) =	sbr.abs _section_cstart, $3  }
0xc0: {  	[dreg:$0x1] =	wrdreg $0xFFFFFFFF  }
0xc1: {  	_ =	task.clear_ibuf [dreg:s7], $0x2FFFF;
	_ =	strace $0x9FFFFFFF  }
0xc2: {  	(tm) =	ssettm $0x7FFFFFFF  }
0xc3: {  	_ =	shalt  }
tec
execute0_lowered:
.L_overlay_start_1:
0x0: {  	(tag) =	ssettag $0x1  }
0x1: {  	s0 =	rddreg [dreg:$0x0]  }
0x2: {  	s2 =	rddreg [dreg:$0x1]  }
0x3: {  	s1 =	srdreg.scid;
	s3 =	stileid.u32  }
0x4: {  	s5 =	simm.s32 $0x0;
	s9 =	simm.s32 $0x5;
	s11 =	simm.s32 $0x80  }
0x5: {  	s12 =	simm.s32 $0x4000;
	s13 =	simm.s32 $0x8000;
	s14 =	simm.s32 $0x1  }
0x6: {  	s15 =	simm.s32 $0x400;
	s16 =	simm.s32 $0xC000;
	s1 =	sand.u32 $0x1, s1  }
0x7: {  	s17 =	simm.s32 $0x2;
	s3 =	sshll.u32 s3, $0xB;
	s4 =	sshll.u32 s1, $0xA  }
0x8: {  	v0 =	vlaneseq.u32;
	s18 =	simm.s32 $0x4;
	s19 =	simm.s32 $0xE000;
	s4 =	sor.u32 s4, s3  }
0x9: {  	[smem:$0x7FF] =	sst s5;
	v0 =	vmul.u32 $0x80, v0;
	s1 =	ssub.s32 $0x2, s1;
	s3 =	sadd.s32 s4, s0  }
0xa: {  	_ =	strace $0x80000047;
	s6 =	sshrl.u32 s1, $0x1;
	s30 =	sadd.s32 $0x8600, s3  }
0xb: {  	v1 =	vor.u32 $0x800, v0;
	s29 =	ssub.s32 s1, s6;
	s31 =	sadd.s32 $0x600, s3;
	[dreg:$0x3] =	wrdreg s30  }
0xc: {  	s5 =	sadd.s32 $0x10600, s0;
	v2 =	vor.u32 $0x1000, v0;
	v3 =	vor.u32 $0x1800, v0;
	v4 =	vor.u32 $0x2000, v0;
	s0 =	smax.u32 s29, $0x1;
	[dreg:$0x4] =	wrdreg s31  }
0xd: {  	s20 =	simm.s32 $0x3;
	s21 =	simm.s32 $0x0;
	v5 =	vor.u32 $0x2800, v0;
	v6 =	vor.u32 $0x3000, v0;
	v7 =	vor.u32 $0x3800, v0;
	[dreg:$0x5] =	wrdreg s0  }
.LBB2_1:
0xe: {  	s0 =	simm.s32 $0x0;
	s1 =	rddreg [dreg:$0x3]  }
0xf: {  	[tilespmem:s0], [sflag:$0x5] =	stream.linear.gather [hbm4b:s1+s0], $0x2000, $0x38;
	[tilespmem:$0x10000] =	vst v63  }
0x10: {  	_ =	swait.ge [sflag:s9], $0x2000  }
0x11: {  	[sflag:s9] =	ssyncset.done $0x0  }
0x12: {  	s3 =	simm.s32 $0x2000;
	s31 =	rddreg [dreg:$0x4];
	[sflag:s9] =	ssyncadd.s32 $0xFFFFE000  }
0x13: {  	[tilespmem:s3], [sflag:$0x5] =	stream.linear.gather [hbm4b:s31+s0], $0x2000, $0x38;
	[tilespmem:$0x10000] =	vst v63  }
0x14: {  	_ =	swait.ge [sflag:s9], $0x2000  }
0x15: {  	[sflag:s9] =	ssyncset.done $0x0  }
0x16: {  	s22 =	simm.s32 $0x0;
	[sflag:s9] =	ssyncadd.s32 $0xFFFFE000  }
0x17: {  	[tilespmem:s12], [sflag:$0x1] =	stream.indirect.gather [hbm4b:s5+s11], $0x80, s0, s11, $0xb8;
	[tilespmem:$0x10000] =	vst v63  }
.LBB2_2:
0x18: {  	s23 =	sshllo.u32 s22, $0x1  }
0x19: {  	s0 =	sshll.u32 s23, $0x9  }
0x1a: {  	s24 =	sshrl.u32 s0, $0x2  }
0x1b: {  	[tilespmem:s13], [sflag:$0x2] =	stream.indirect.gather [hbm4b:s5+s11], $0x80, s24, s11, $0xb8;
	[tilespmem:$0x10000] =	vst v63  }
0x1c: {  	_ =	swait.ge [sflag:s14], $0x4000  }
0x1d: {  	p0 =	seq.s32 s22, $0x0;
	[sflag:s14] =	ssyncset.done $0x0  }
0x1e: {  	s0 =	simm.s32 @!p0 $0x3;
	[sflag:s14] =	ssyncadd.s32 $0xFFFFC000  }
0x1f: {  	_ =	swait.ge @!p0 [sflag:s0], $0x2000  }
0x20: {  	s1 =	sshll.u32 s22, $0xA;
	[sflag:s0] =	ssyncset.done @!p0 $0x0  }
0x21: {  	s25 =	sshrl.u32 s1, $0x2;
	[sflag:s0] =	ssyncadd.s32 @!p0 $0xFFFFE000  }
0x22: {  	v15 =	vld [tilespmem:s25+$0x2000];
	_ =	sdelay $0x3  }
0x23: {  	s10 =	simm.s32 $0x3  }
0x24: {  	s6 =	simm.s32 $0x1;
	v8 =	vadd.s32 s10, v15  }
0x25: {  	s8 =	simm.s32 $0x2;
	v14 =	vld [tilespmem:s25+$0x2010];
	v9 =	vadd.s32 s6, v15;
	v8 =	vadd.s32 v0, v8  }
0x26: {  	v13 =	vld [tilespmem:s25+$0x2020];
	v16 =	vadd.s32 v0, v9;
	v9 =	vadd.s32 s8, v15  }
0x27: {  	s7 =	simm.s32 $0x0;
	v12 =	vld [tilespmem:s25+$0x2030];
	v17 =	vadd.s32 v0, v9  }
0x28: {  	v11 =	vld [tilespmem:s25+$0x2040];
	v18 =	vadd.s32 s7, v15  }
0x29: {  	v10 =	vld [tilespmem:s25+$0x2050];
	v18 =	vadd.s32 v0, v18  }
0x2a: {  	v19 =	vld.idx.msk [tilespmem:v8+s12+$0x0], $0xffff;
	v8 =	vadd.s32 s10, v14  }
0x2b: {  	v20 =	vadd.s32 s6, v14;
	v16 =	vld.idx.msk [tilespmem:v16+s12+$0x0], $0xffff;
	v21 =	vadd.s32 v1, v8  }
0x2c: {  	v22 =	vadd.s32 s8, v14;
	v20 =	vadd.s32 v1, v20;
	v17 =	vld.idx.msk [tilespmem:v17+s12+$0x0], $0xffff  }
0x2d: {  	v22 =	vadd.s32 v1, v22;
	v9 =	vld [tilespmem:s25+$0x2060]  }
0x2e: {  	s0 =	simm.s32 $0xC100;
	v23 =	vadd.s32 s7, v14;
	v18 =	vld.idx.msk [tilespmem:v18+s12+$0x0], $0xffff  }
0x2f: {  	v23 =	vadd.s32 v1, v23;
	v8 =	vld [tilespmem:s25+$0x2070];
	[tilespmem:s0+$0x80] =	vst v19  }
0x30: {  	[tilespmem:s0+$0xFFFFFF80] =	vst v16;
	v19 =	vadd.s32 s10, v13;
	v16 =	vld.idx.msk [tilespmem:v21+s12+$0x0], $0xffff  }
0x31: {  	v20 =	vld.idx.msk [tilespmem:v20+s12+$0x0], $0xffff;
	[tilespmem:s0+$0x0] =	vst v17;
	v17 =	vadd.s32 s6, v13;
	v19 =	vadd.s32 v2, v19  }
0x32: {  	v21 =	vld.idx.msk [tilespmem:v22+s12+$0x0], $0xffff;
	v17 =	vadd.s32 v2, v17;
	v22 =	vadd.s32 s8, v13  }
0x33: {  	[tilespmem:s0+$0xFFFFFF00] =	vst v18;
	v18 =	vadd.s32 v2, v22  }
0x34: {  	v22 =	vld.idx.msk [tilespmem:v23+s12+$0x0], $0xffff;
	v23 =	vadd.s32 s7, v13  }
0x35: {  	v23 =	vadd.s32 v2, v23;
	[tilespmem:s0+$0x90] =	vst v16  }
0x36: {  	[tilespmem:s0+$0xFFFFFF90] =	vst v20;
	v16 =	vld.idx.msk [tilespmem:v19+s12+$0x0], $0xffff;
	v19 =	vadd.s32 s10, v12  }
0x37: {  	v20 =	vadd.s32 s6, v12;
	v17 =	vld.idx.msk [tilespmem:v17+s12+$0x0], $0xffff;
	[tilespmem:s0+$0x10] =	vst v21;
	v19 =	vadd.s32 v3, v19  }
0x38: {  	s26 =	simm.s32 $0x4;
	v20 =	vadd.s32 v3, v20;
	v21 =	vadd.s32 s8, v12;
	v18 =	vld.idx.msk [tilespmem:v18+s12+$0x0], $0xffff  }
0x39: {  	v24 =	vadd.s32 s26, v15;
	[tilespmem:s0+$0xFFFFFF10] =	vst v22;
	v21 =	vadd.s32 v3, v21  }
0x3a: {  	s29 =	simm.s32 $0x5;
	v22 =	vadd.s32 v0, v24;
	v24 =	vadd.s32 s7, v12;
	v23 =	vld.idx.msk [tilespmem:v23+s12+$0x0], $0xffff  }
0x3b: {  	v25 =	vadd.s32 s29, v15;
	v24 =	vadd.s32 v3, v24;
	[tilespmem:s0+$0xA0] =	vst v16  }
0x3c: {  	v16 =	vadd.s32 v0, v25;
	[tilespmem:s0+$0xFFFFFFA0] =	vst v17;
	v17 =	vld.idx.msk [tilespmem:v19+s12+$0x0], $0xffff;
	v19 =	vadd.s32 s10, v11  }
0x3d: {  	v20 =	vld.idx.msk [tilespmem:v20+s12+$0x0], $0xffff;
	[tilespmem:s0+$0x20] =	vst v18;
	v18 =	vadd.s32 s6, v11;
	v19 =	vadd.s32 v4, v19  }
0x3e: {  	s1 =	simm.s32 $0x7;
	v25 =	vadd.s32 s8, v11;
	v21 =	vld.idx.msk [tilespmem:v21+s12+$0x0], $0xffff;
	v18 =	vadd.s32 v4, v18  }
0x3f: {  	v22 =	vld.idx.msk [tilespmem:v22+s12+$0x0], $0xffff;
	[tilespmem:s0+$0xFFFFFF20] =	vst v23;
	v23 =	vadd.s32 v4, v25;
	v25 =	vadd.s32 s1, v15  }
0x40: {  	s30 =	simm.s32 $0x6;
	v26 =	vadd.s32 s7, v11;
	v24 =	vld.idx.msk [tilespmem:v24+s12+$0x0], $0xffff;
	v25 =	vadd.s32 v0, v25  }
0x41: {  	v27 =	vld.idx.msk [tilespmem:v16+s12+$0x0], $0xffff;
	v16 =	vadd.s32 s30, v15;
	[tilespmem:s0+$0xB0] =	vst v17;
	v17 =	vadd.s32 v4, v26  }
0x42: {  	[tilespmem:s0+$0xFFFFFFB0] =	vst v20;
	v16 =	vadd.s32 v0, v16;
	v20 =	vadd.s32 s10, v10;
	v19 =	vld.idx.msk [tilespmem:v19+s12+$0x0], $0xffff  }
0x43: {  	v18 =	vld.idx.msk [tilespmem:v18+s12+$0x0], $0xffff;
	[tilespmem:s0+$0x30] =	vst v21;
	v21 =	vadd.s32 s6, v10;
	v20 =	vadd.s32 v5, v20  }
0x44: {  	s28 =	simm.s32 $0x8;
	v26 =	vadd.s32 s8, v10;
	v23 =	vld.idx.msk [tilespmem:v23+s12+$0x0], $0xffff;
	v21 =	vadd.s32 v5, v21  }
0x45: {  	v26 =	vadd.s32 v5, v26;
	[tilespmem:s0+$0xFFFFFF30] =	vst v24;
	v24 =	vadd.s32 s28, v15;
	v25 =	vld.idx.msk [tilespmem:v25+s12+$0x0], $0xffff  }
0x46: {  	v28 =	vadd.s32 s1, v14;
	v24 =	vadd.s32 v0, v24;
	v17 =	vld.idx.msk [tilespmem:v17+s12+$0x0], $0xffff  }
0x47: {  	v29 =	vadd.s32 s29, v14;
	v28 =	vadd.s32 v1, v28;
	v30 =	vld.idx.msk [tilespmem:v16+s12+$0x0], $0xffff;
	[tilespmem:s0+$0xC0] =	vst v19  }
0x48: {  	v16 =	vadd.s32 s30, v14;
	v19 =	vadd.s32 v1, v29;
	[tilespmem:s0+$0xFFFFFFC0] =	vst v18;
	v18 =	vld.idx.msk [tilespmem:v20+s12+$0x0], $0xffff  }
0x49: {  	s31 =	simm.s32 $0xC300;
	v20 =	vadd.s32 v1, v16;
	v21 =	vld.idx.msk [tilespmem:v21+s12+$0x0], $0xffff;
	[tilespmem:s0+$0x40] =	vst v23;
	v16 =	vadd.s32 s10, v9  }
0x4a: {  	[tilespmem:s31+$0xFFFFFF80] =	vst v27;
	v23 =	vadd.s32 s26, v14;
	v26 =	vld.idx.msk [tilespmem:v26+s12+$0x0], $0xffff;
	v29 =	vadd.s32 v6, v16  }
0x4b: {  	v27 =	vadd.s32 s6, v9;
	[tilespmem:s31+$0x80] =	vst v25;
	v16 =	vld.idx.msk [tilespmem:v24+s12+$0x0], $0xffff;
	v23 =	vadd.s32 v1, v23  }
0x4c: {  	[tilespmem:s31+$0xFFFFFF00] =	vst v22;
	v27 =	vadd.s32 v6, v27;
	v24 =	vadd.s32 s7, v10;
	v25 =	vld.idx.msk [tilespmem:v28+s12+$0x0], $0xffff  }
0x4d: {  	v28 =	vadd.s32 s1, v13;
	v24 =	vadd.s32 v5, v24;
	[tilespmem:s31+$0x0] =	vst v30;
	v19 =	vld.idx.msk [tilespmem:v19+s12+$0x0], $0xffff  }
0x4e: {  	v28 =	vadd.s32 v2, v28;
	v30 =	vadd.s32 s29, v13;
	v20 =	vld.idx.msk [tilespmem:v20+s12+$0x0], $0xffff;
	[tilespmem:s0+$0xD0] =	vst v18  }
0x4f: {  	v22 =	vadd.s32 s30, v13;
	[tilespmem:s0+$0xFFFFFF40] =	vst v17;
	v18 =	vadd.s32 v2, v30;
	v29 =	vld.idx.msk [tilespmem:v29+s12+$0x0], $0xffff  }
0x50: {  	v22 =	vadd.s32 v2, v22;
	v17 =	vadd.s32 s10, v8;
	v30 =	vadd.s32 s26, v13;
	[tilespmem:s0+$0xFFFFFFD0] =	vst v21;
	v23 =	vld.idx.msk [tilespmem:v23+s12+$0x0], $0xffff  }
0x51: {  	v17 =	vadd.s32 v7, v17;
	v21 =	vadd.s32 v2, v30;
	v30 =	vld.idx.msk [tilespmem:v27+s12+$0x0], $0xffff  }
0x52: {  	[tilespmem:s31+$0x90] =	vst v25;
	v25 =	vadd.s32 s8, v9;
	v24 =	vld.idx.msk [tilespmem:v24+s12+$0x0], $0xffff  }
0x53: {  	v27 =	vld.idx.msk [tilespmem:v28+s12+$0x0], $0xffff;
	v25 =	vadd.s32 v6, v25;
	[tilespmem:s31+$0xFFFFFF90] =	vst v19;
	v19 =	vadd.s32 s7, v9  }
0x54: {  	v28 =	vld.idx.msk [tilespmem:v18+s12+$0x0], $0xffff;
	[tilespmem:s31+$0x10] =	vst v20;
	v18 =	vadd.s32 s1, v12;
	v20 =	vadd.s32 v6, v19  }
0x55: {  	v19 =	vadd.s32 s29, v12;
	v22 =	vld.idx.msk [tilespmem:v22+s12+$0x0], $0xffff;
	v31 =	vadd.s32 v3, v18;
	[tilespmem:s0+$0xE0] =	vst v29  }
0x56: {  	s10 =	simm.s32 $0x9;
	[tilespmem:s31+$0xFFFFFF10] =	vst v23;
	v23 =	vadd.s32 v3, v19;
	v18 =	vadd.s32 s30, v12;
	v17 =	vld.idx.msk [tilespmem:v17+s12+$0x0], $0xffff  }
0x57: {  	[tilespmem:s0+$0x50] =	vst v26;
	v19 =	vadd.s32 s10, v15;
	v29 =	vld.idx.msk [tilespmem:v21+s12+$0x0], $0xffff;
	v32 =	vadd.s32 v3, v18  }
0x58: {  	v26 =	vadd.s32 v0, v19;
	v18 =	vadd.s32 s26, v12;
	[tilespmem:s0+$0xFFFFFF50] =	vst v24;
	v19 =	vld.idx.msk [tilespmem:v25+s12+$0x0], $0xffff  }
0x59: {  	[tilespmem:s31+$0xA0] =	vst v27;
	v24 =	vadd.s32 s6, v8;
	v33 =	vadd.s32 v3, v18;
	v18 =	vld.idx.msk [tilespmem:v20+s12+$0x0], $0xffff  }
0x5a: {  	v25 =	vadd.s32 s8, v8;
	v27 =	vadd.s32 v7, v24;
	[tilespmem:s31+$0xFFFFFFA0] =	vst v28;
	v20 =	vld.idx.msk [tilespmem:v31+s12+$0x0], $0xffff  }
0x5b: {  	v24 =	vadd.s32 v7, v25;
	v21 =	vld.idx.msk [tilespmem:v23+s12+$0x0], $0xffff;
	[tilespmem:s31+$0x20] =	vst v22;
	v23 =	vadd.s32 s1, v11  }
0x5c: {  	v28 =	vadd.s32 s29, v11;
	v22 =	vld.idx.msk [tilespmem:v32+s12+$0x0], $0xffff;
	[tilespmem:s0+$0xF0] =	vst v17;
	v25 =	vadd.s32 v4, v23  }
0x5d: {  	v17 =	vld.idx.msk [tilespmem:v26+s12+$0x0], $0xffff;
	[tilespmem:s31+$0xFFFFFF20] =	vst v29;
	v29 =	vadd.s32 s30, v11;
	v26 =	vadd.s32 v4, v28  }
0x5e: {  	[tilespmem:s0+$0xFFFFFFE0] =	vst v30;
	s6 =	simm.s32 $0xB;
	s8 =	simm.s32 $0xC;
	v23 =	vld.idx.msk [tilespmem:v33+s12+$0x0], $0xffff;
	v28 =	vadd.s32 v4, v29;
	v29 =	vadd.s32 s7, v8  }
.LBB2_3:
0x5f: {  	p1 =	slt.u32 s8, $0x3C;
	v30 =	vadd.s32 s6, v15;
	v29 =	vadd.s32 v7, v29;
	v27 =	vld.idx.msk [tilespmem:v27+s12+$0x0], $0xffff;
	[tilespmem:s0+$0x60] =	vst v19;
	s7 =	smov.u32 s28;
	s28 =	smov.u32 s8  }
0x60: {  	s3 =	sadd.s32 $0x2, s7;
	v19 =	vadd.s32 v0, v30;
	v30 =	vadd.s32 s26, v11;
	[tilespmem:s31+$0xB0] =	vst v20;
	v20 =	vld.idx.msk [tilespmem:v24+s12+$0x0], $0xffff  }
0x61: {  	v24 =	vadd.s32 s3, v15;
	v30 =	vadd.s32 v4, v30;
	[tilespmem:s31+$0xFFFFFFB0] =	vst v21;
	v21 =	vld.idx.msk [tilespmem:v25+s12+$0x0], $0xffff  }
0x62: {  	v24 =	vadd.s32 v0, v24;
	v25 =	vld.idx.msk [tilespmem:v26+s12+$0x0], $0xffff;
	[tilespmem:s31+$0x30] =	vst v22;
	v22 =	vadd.s32 s1, v10  }
0x63: {  	v26 =	vadd.s32 s29, v10;
	v28 =	vld.idx.msk [tilespmem:v28+s12+$0x0], $0xffff;
	v22 =	vadd.s32 v5, v22;
	[tilespmem:s0+$0xFFFFFF60] =	vst v18  }
0x64: {  	v18 =	vadd.s32 v5, v26;
	[tilespmem:s31+$0xFFFFFF30] =	vst v23;
	v23 =	vadd.s32 s30, v10;
	v26 =	vld.idx.msk [tilespmem:v29+s12+$0x0], $0xffff  }
0x65: {  	v29 =	vadd.s32 s8, v15;
	v19 =	vld.idx.msk [tilespmem:v19+s12+$0x0], $0xffff;
	v23 =	vadd.s32 v5, v23;
	[tilespmem:s0+$0xFFFFFFF0] =	vst v27  }
0x66: {  	v27 =	vadd.s32 v0, v29;
	v29 =	vadd.s32 s6, v14;
	v30 =	vld.idx.msk [tilespmem:v30+s12+$0x0], $0xffff;
	[tilespmem:s0+$0x70] =	vst v20  }
0x67: {  	v20 =	vadd.s32 s10, v14;
	v29 =	vadd.s32 v1, v29;
	v24 =	vld.idx.msk [tilespmem:v24+s12+$0x0], $0xffff;
	[tilespmem:s31+$0xC0] =	vst v21  }
0x68: {  	v20 =	vadd.s32 v1, v20;
	v21 =	vadd.s32 s3, v14;
	[tilespmem:s31+$0xFFFFFFC0] =	vst v25;
	v22 =	vld.idx.msk [tilespmem:v22+s12+$0x0], $0xffff  }
0x69: {  	v21 =	vadd.s32 v1, v21;
	v25 =	vadd.s32 s1, v9;
	v18 =	vld.idx.msk [tilespmem:v18+s12+$0x0], $0xffff;
	[tilespmem:s31+$0x40] =	vst v28  }
0x6a: {  	v28 =	vadd.s32 s7, v14;
	v25 =	vadd.s32 v6, v25;
	v23 =	vld.idx.msk [tilespmem:v23+s12+$0x0], $0xffff;
	[tilespmem:s0+$0xFFFFFF70] =	vst v26;
	s0 =	smov.u32 s31;
	s31 =	sadd.s32 $0x200, s31  }
0x6b: {  	v26 =	vld.idx.msk [tilespmem:v27+s12+$0x0], $0xffff;
	v27 =	vadd.s32 v1, v28;
	[tilespmem:s31+$0x80] =	vst v19;
	v19 =	vadd.s32 s26, v10  }
0x6c: {  	v28 =	vadd.s32 s29, v9;
	[tilespmem:s31+$0xFFFFFF80] =	vst v17;
	v17 =	vld.idx.msk [tilespmem:v29+s12+$0x0], $0xffff;
	v19 =	vadd.s32 v5, v19  }
0x6d: {  	v28 =	vadd.s32 v6, v28;
	v20 =	vld.idx.msk [tilespmem:v20+s12+$0x0], $0xffff;
	[tilespmem:s31+$0x0] =	vst v24;
	v24 =	vadd.s32 s6, v13  }
0x6e: {  	v29 =	vadd.s32 s10, v13;
	v21 =	vld.idx.msk [tilespmem:v21+s12+$0x0], $0xffff;
	v24 =	vadd.s32 v2, v24;
	[tilespmem:s0+$0xD0] =	vst v22  }
0x6f: {  	v32 =	vadd.s32 s3, v13;
	v22 =	vadd.s32 v2, v29;
	[tilespmem:s31+$0xFFFFFF00] =	vst v16;
	v25 =	vld.idx.msk [tilespmem:v25+s12+$0x0], $0xffff  }
0x70: {  	v31 =	vadd.s32 s1, v8;
	s1 =	smov.u32 s6;
	v29 =	vadd.s32 v2, v32;
	v27 =	vld.idx.msk [tilespmem:v27+s12+$0x0], $0xffff;
	[tilespmem:s0+$0xFFFFFF40] =	vst v30  }
0x71: {  	v30 =	vadd.s32 s7, v13;
	v16 =	vmov v26;
	v19 =	vld.idx.msk [tilespmem:v19+s12+$0x0], $0xffff;
	[tilespmem:s0+$0xFFFFFFD0] =	vst v18;
	v18 =	vadd.s32 v7, v31  }
0x72: {  	v26 =	vadd.s32 v2, v30;
	[tilespmem:s31+$0x90] =	vst v17;
	v30 =	vld.idx.msk [tilespmem:v28+s12+$0x0], $0xffff;
	v17 =	vadd.s32 s30, v9  }
0x73: {  	[tilespmem:s31+$0xFFFFFF90] =	vst v20;
	v20 =	vld.idx.msk [tilespmem:v24+s12+$0x0], $0xffff;
	v24 =	vadd.s32 s26, v9;
	v17 =	vadd.s32 v6, v17  }
0x74: {  	v22 =	vld.idx.msk [tilespmem:v22+s12+$0x0], $0xffff;
	[tilespmem:s31+$0x10] =	vst v21;
	v21 =	vadd.s32 s1, v12;
	v24 =	vadd.s32 v6, v24  }
0x75: {  	v28 =	vadd.s32 s10, v12;
	v29 =	vld.idx.msk [tilespmem:v29+s12+$0x0], $0xffff;
	v21 =	vadd.s32 v3, v21;
	[tilespmem:s0+$0xE0] =	vst v25  }
0x76: {  	s6 =	sadd.s32 $0x1, s8;
	v25 =	vadd.s32 v3, v28;
	[tilespmem:s31+$0xFFFFFF10] =	vst v27;
	v27 =	vadd.s32 s3, v12;
	v28 =	vld.idx.msk [tilespmem:v18+s12+$0x0], $0xffff  }
0x77: {  	v18 =	vadd.s32 s6, v15;
	v26 =	vld.idx.msk [tilespmem:v26+s12+$0x0], $0xffff;
	v31 =	vadd.s32 v3, v27;
	[tilespmem:s0+$0x50] =	vst v23  }
0x78: {  	v23 =	vadd.s32 v0, v18;
	v18 =	vadd.s32 s7, v12;
	[tilespmem:s0+$0xFFFFFF50] =	vst v19;
	v19 =	vld.idx.msk [tilespmem:v17+s12+$0x0], $0xffff  }
0x79: {  	v32 =	vadd.s32 v3, v18;
	v17 =	vadd.s32 s29, v8;
	s29 =	smov.u32 s10;
	s10 =	smov.u32 s6;
	[tilespmem:s31+$0xA0] =	vst v20;
	v18 =	vld.idx.msk [tilespmem:v24+s12+$0x0], $0xffff  }
.Ltmp0:
0x7a: {  	v27 =	vadd.s32 v7, v17;
	v17 =	vadd.s32 s30, v8;
	s30 =	smov.u32 s3;
	[tilespmem:s31+$0xFFFFFFA0] =	vst v22;
	v20 =	vld.idx.msk [tilespmem:v21+s12+$0x0], $0xffff;
	(pc) =	sbr.rel @p1 .LBB2_3-.Ltmp0, $4  }
0x7b: {  	v24 =	vadd.s32 v7, v17;
	v21 =	vld.idx.msk [tilespmem:v25+s12+$0x0], $0xffff;
	[tilespmem:s31+$0x20] =	vst v29;
	v25 =	vadd.s32 s1, v11  }
0x7c: {  	v29 =	vadd.s32 s29, v11;
	v22 =	vld.idx.msk [tilespmem:v31+s12+$0x0], $0xffff;
	v25 =	vadd.s32 v4, v25;
	[tilespmem:s0+$0xF0] =	vst v28  }
0x7d: {  	v28 =	vadd.s32 s30, v11;
	v17 =	vld.idx.msk [tilespmem:v23+s12+$0x0], $0xffff;
	[tilespmem:s31+$0xFFFFFF20] =	vst v26;
	v26 =	vadd.s32 v4, v29  }
0x7e: {  	s8 =	sadd.s32 $0x4, s8;
	s6 =	sadd.s32 $0x3, s28;
	v28 =	vadd.s32 v4, v28;
	v29 =	vadd.s32 s26, v8;
	s26 =	smov.u32 s7;
	v23 =	vld.idx.msk [tilespmem:v32+s12+$0x0], $0xffff;
	[tilespmem:s0+$0xFFFFFFE0] =	vst v30  }
0x7f: {  	_ = 	snop  }
0x80: {  	[tilespmem:s0+$0x60] =	vst v19  }
0x81: {  	[tilespmem:s31+$0xB0] =	vst v20  }
0x82: {  	v30 =	vadd.s32 s6, v15;
	s7 =	sadd.s32 $0x2, s28;
	[tilespmem:s0+$0xFFFFFF60] =	vst v18  }
0x83: {  	v63 =	vld.idx.msk [tilespmem:v27+s12+$0x0], $0xffff;
	s8 =	sadd.s32 $0x200, s31;
	v30 =	vadd.s32 v0, v30;
	v32 =	vadd.s32 s7, v15;
	[tilespmem:s31+$0xFFFFFFB0] =	vst v21  }
0x84: {  	v31 =	vld.idx.msk [tilespmem:v24+s12+$0x0], $0xffff;
	[tilespmem:s8+$0xFFFFFF00] =	vst v16;
	v15 =	vadd.s32 v0, v32  }
0x85: {  	v35 =	vadd.s32 v7, v29;
	v41 =	vadd.s32 s10, v14;
	v33 =	vld.idx.msk [tilespmem:v25+s12+$0x0], $0xffff;
	[tilespmem:s31+$0x30] =	vst v22  }
0x86: {  	v36 =	vadd.s32 s1, v10;
	v43 =	vadd.s32 s28, v14;
	v20 =	vadd.s32 v1, v41;
	v34 =	vld.idx.msk [tilespmem:v26+s12+$0x0], $0xffff;
	[tilespmem:s8+$0xFFFFFF80] =	vst v17  }
0x87: {  	v40 =	vadd.s32 s6, v14;
	v42 =	vadd.s32 s7, v14;
	v14 =	vadd.s32 v1, v43;
	v37 =	vld.idx.msk [tilespmem:v28+s12+$0x0], $0xffff;
	[tilespmem:s31+$0xFFFFFF30] =	vst v23  }
0x88: {  	v38 =	vadd.s32 v5, v36;
	[tilespmem:s0+$0xFFFFFFF0] =	vst v63;
	v39 =	vld.idx.msk [tilespmem:v30+s12+$0x0], $0xffff  }
0x89: {  	v19 =	vadd.s32 v1, v40;
	[tilespmem:s0+$0x70] =	vst v31;
	v15 =	vld.idx.msk [tilespmem:v15+s12+$0x0], $0xffff  }
0x8a: {  	v44 =	vadd.s32 s26, v11;
	v21 =	vadd.s32 v1, v42;
	v18 =	vld.idx.msk [tilespmem:v35+s12+$0x0], $0xffff;
	[tilespmem:s31+$0xC0] =	vst v33  }
0x8b: {  	v45 =	vadd.s32 s29, v10;
	v22 =	vadd.s32 v4, v44;
	v20 =	vld.idx.msk [tilespmem:v20+s12+$0x0], $0xffff;
	[tilespmem:s31+$0xFFFFFFC0] =	vst v34  }
0x8c: {  	v48 =	vadd.s32 s6, v13;
	v51 =	vadd.s32 s28, v13;
	v46 =	vadd.s32 v5, v45;
	v14 =	vld.idx.msk [tilespmem:v14+s12+$0x0], $0xffff;
	[tilespmem:s31+$0x40] =	vst v37  }
0x8d: {  	v49 =	vadd.s32 s10, v13;
	v50 =	vadd.s32 s7, v13;
	v13 =	vadd.s32 v2, v51;
	v23 =	vld.idx.msk [tilespmem:v38+s12+$0x0], $0xffff;
	[tilespmem:s8+$0x80] =	vst v39  }
0x8e: {  	v47 =	vld.idx.msk [tilespmem:v19+s12+$0x0], $0xffff;
	[tilespmem:s8+$0x0] =	vst v15;
	v15 =	vadd.s32 v2, v49  }
0x8f: {  	[tilespmem:s0+$0xFFFFFF70] =	vst v18;
	v19 =	vadd.s32 v2, v48;
	v21 =	vld.idx.msk [tilespmem:v21+s12+$0x0], $0xffff  }
0x90: {  	v54 =	vadd.s32 s30, v10;
	v16 =	vadd.s32 v2, v50;
	v52 =	vld.idx.msk [tilespmem:v22+s12+$0x0], $0xffff;
	[tilespmem:s8+$0xFFFFFF90] =	vst v20  }
0x91: {  	v53 =	vadd.s32 s1, v9;
	v55 =	vadd.s32 v5, v54;
	v24 =	vld.idx.msk [tilespmem:v46+s12+$0x0], $0xffff;
	[tilespmem:s8+$0xFFFFFF10] =	vst v14  }
0x92: {  	v56 =	vadd.s32 s6, v12;
	v61 =	vadd.s32 s28, v12;
	v22 =	vadd.s32 v6, v53;
	[tilespmem:s31+$0xD0] =	vst v23;
	v13 =	vld.idx.msk [tilespmem:v13+s12+$0x0], $0xffff  }
0x93: {  	v57 =	vadd.s32 s10, v12;
	v59 =	vadd.s32 s7, v12;
	v12 =	vadd.s32 v3, v61;
	[tilespmem:s8+$0x90] =	vst v47;
	v15 =	vld.idx.msk [tilespmem:v15+s12+$0x0], $0xffff  }
0x94: {  	v58 =	vadd.s32 v3, v57;
	v19 =	vld.idx.msk [tilespmem:v19+s12+$0x0], $0xffff;
	[tilespmem:s8+$0x10] =	vst v21  }
0x95: {  	v20 =	vadd.s32 v3, v56;
	[tilespmem:s31+$0xFFFFFF40] =	vst v52;
	v16 =	vld.idx.msk [tilespmem:v16+s12+$0x0], $0xffff  }
0x96: {  	v60 =	vadd.s32 v3, v59;
	v31 =	vadd.s32 s29, v9;
	v17 =	vld.idx.msk [tilespmem:v55+s12+$0x0], $0xffff;
	[tilespmem:s31+$0xFFFFFFD0] =	vst v24  }
0x97: {  	v33 =	vadd.s32 s30, v9;
	v32 =	vadd.s32 v6, v31;
	v22 =	vld.idx.msk [tilespmem:v22+s12+$0x0], $0xffff;
	[tilespmem:s8+$0xFFFFFF20] =	vst v13  }
0x98: {  	v27 =	vadd.s32 s10, v11;
	v30 =	vadd.s32 s28, v11;
	v34 =	vadd.s32 v6, v33;
	v12 =	vld.idx.msk [tilespmem:v12+s12+$0x0], $0xffff;
	[tilespmem:s8+$0xFFFFFFA0] =	vst v15  }
0x99: {  	v29 =	vadd.s32 s7, v11;
	v26 =	vadd.s32 s6, v11;
	v11 =	vadd.s32 v4, v30;
	[tilespmem:s8+$0xA0] =	vst v19;
	v14 =	vld.idx.msk [tilespmem:v58+s12+$0x0], $0xffff  }
0x9a: {  	v28 =	vadd.s32 v4, v27;
	v25 =	vld.idx.msk [tilespmem:v20+s12+$0x0], $0xffff;
	[tilespmem:s8+$0x20] =	vst v16  }
0x9b: {  	[tilespmem:s31+$0x50] =	vst v17;
	v20 =	vadd.s32 v4, v26;
	v18 =	vld.idx.msk [tilespmem:v60+s12+$0x0], $0xffff  }
0x9c: {  	v62 =	vadd.s32 s26, v10;
	v17 =	vld.idx.msk [tilespmem:v32+s12+$0x0], $0xffff;
	[tilespmem:s31+$0xE0] =	vst v22;
	v16 =	vadd.s32 v4, v29  }
0x9d: {  	v63 =	vadd.s32 s1, v8;
	v21 =	vadd.s32 v5, v62;
	v15 =	vld.idx.msk [tilespmem:v34+s12+$0x0], $0xffff;
	[tilespmem:s8+$0xFFFFFF30] =	vst v12  }
0x9e: {  	v36 =	vadd.s32 s6, v10;
	v40 =	vadd.s32 s28, v10;
	v24 =	vadd.s32 v7, v63;
	v11 =	vld.idx.msk [tilespmem:v11+s12+$0x0], $0xffff;
	[tilespmem:s8+$0xFFFFFFB0] =	vst v14  }
0x9f: {  	v37 =	vadd.s32 s10, v10;
	v39 =	vadd.s32 s7, v10;
	v10 =	vadd.s32 v5, v40;
	[tilespmem:s8+$0xB0] =	vst v25;
	v13 =	vld.idx.msk [tilespmem:v28+s12+$0x0], $0xffff  }
0xa0: {  	v38 =	vadd.s32 v5, v37;
	v35 =	vld.idx.msk [tilespmem:v20+s12+$0x0], $0xffff;
	[tilespmem:s8+$0x30] =	vst v18  }
0xa1: {  	[tilespmem:s31+$0xFFFFFFE0] =	vst v17;
	v20 =	vadd.s32 v5, v36;
	v16 =	vld.idx.msk [tilespmem:v16+s12+$0x0], $0xffff  }
0xa2: {  	v43 =	vadd.s32 s29, v8;
	v21 =	vld.idx.msk [tilespmem:v21+s12+$0x0], $0xffff;
	[tilespmem:s31+$0x60] =	vst v15;
	v18 =	vadd.s32 v5, v39  }
0xa3: {  	v41 =	vadd.s32 s26, v9;
	v44 =	vadd.s32 v7, v43;
	v19 =	vld.idx.msk [tilespmem:v24+s12+$0x0], $0xffff;
	[tilespmem:s8+$0xFFFFFF40] =	vst v11  }
0xa4: {  	v42 =	vadd.s32 v6, v41;
	v50 =	vadd.s32 s28, v9;
	v46 =	vadd.s32 s6, v9;
	v10 =	vld.idx.msk [tilespmem:v10+s12+$0x0], $0xffff;
	[tilespmem:s8+$0xFFFFFFC0] =	vst v13  }
0xa5: {  	v48 =	vadd.s32 s10, v9;
	v49 =	vadd.s32 s7, v9;
	v9 =	vadd.s32 v6, v50;
	[tilespmem:s8+$0xC0] =	vst v35;
	v12 =	vld.idx.msk [tilespmem:v38+s12+$0x0], $0xffff  }
0xa6: {  	v45 =	vld.idx.msk [tilespmem:v20+s12+$0x0], $0xffff;
	[tilespmem:s8+$0x40] =	vst v16;
	v20 =	vadd.s32 v6, v48  }
0xa7: {  	v47 =	vadd.s32 v6, v46;
	[tilespmem:s31+$0xFFFFFF50] =	vst v21;
	v18 =	vld.idx.msk [tilespmem:v18+s12+$0x0], $0xffff  }
0xa8: {  	v54 =	vadd.s32 s26, v8;
	v52 =	vadd.s32 s30, v8;
	[tilespmem:s31+$0xF0] =	vst v19;
	v14 =	vld.idx.msk [tilespmem:v44+s12+$0x0], $0xffff;
	v11 =	vadd.s32 v6, v49  }
0xa9: {  	v59 =	vadd.s32 s10, v8;
	v56 =	vadd.s32 s6, v8;
	v53 =	vadd.s32 v7, v52;
	v51 =	vld.idx.msk [tilespmem:v42+s12+$0x0], $0xffff;
	[tilespmem:s8+$0xFFFFFF50] =	vst v10  }
0xaa: {  	v55 =	vadd.s32 v7, v54;
	v62 =	vadd.s32 s7, v8;
	v8 =	vadd.s32 s28, v8;
	v9 =	vld.idx.msk [tilespmem:v9+s12+$0x0], $0xffff;
	[tilespmem:s8+$0xFFFFFFD0] =	vst v12  }
0xab: {  	v8 =	vadd.s32 v7, v8;
	[tilespmem:s8+$0xD0] =	vst v45;
	v58 =	vld.idx.msk [tilespmem:v20+s12+$0x0], $0xffff  }
0xac: {  	v61 =	vadd.s32 v7, v59;
	v16 =	vld.idx.msk [tilespmem:v47+s12+$0x0], $0xffff;
	[tilespmem:s8+$0x50] =	vst v18  }
0xad: {  	v57 =	vadd.s32 v7, v56;
	[tilespmem:s31+$0xFFFFFFF0] =	vst v14;
	v60 =	vld.idx.msk [tilespmem:v11+s12+$0x0], $0xffff  }
0xae: {  	v63 =	vadd.s32 v7, v62;
	v15 =	vld.idx.msk [tilespmem:v53+s12+$0x0], $0xffff;
	[tilespmem:s31+$0xFFFFFF60] =	vst v51  }
0xaf: {  	v13 =	vld.idx.msk [tilespmem:v55+s12+$0x0], $0xffff;
	[tilespmem:s8+$0xFFFFFF60] =	vst v9  }
0xb0: {  	v8 =	vld.idx.msk [tilespmem:v8+s12+$0x0], $0xffff;
	[tilespmem:s8+$0xFFFFFFE0] =	vst v58  }
0xb1: {  	[tilespmem:s8+$0xE0] =	vst v16;
	v11 =	vld.idx.msk [tilespmem:v61+s12+$0x0], $0xffff  }
0xb2: {  	v12 =	vld.idx.msk [tilespmem:v57+s12+$0x0], $0xffff;
	[tilespmem:s8+$0x60] =	vst v60  }
0xb3: {  	[tilespmem:s31+$0x70] =	vst v15;
	v10 =	vld.idx.msk [tilespmem:v63+s12+$0x0], $0xffff  }
0xb4: {  	p1 =	sne.s32 s22, $0x18;
	[tilespmem:s31+$0xFFFFFF70] =	vst v13  }
.Ltmp1:
0xb5: {  	s31 =	sshll.u32 s22, $0x13;
	[tilespmem:s8+$0xFFFFFF70] =	vst v8;
	(pc) =	sbr.rel @p1 .LBB2_6-.Ltmp1, $4  }
0xb6: {  	s0 =	sor.u32 s4, s31;
	[tilespmem:s8+$0xFFFFFFF0] =	vst v11  }
0xb7: {  	s0 =	sshrl.u32 s0, $0x3;
	[tilespmem:s8+$0xF0] =	vst v12  }
0xb8: {  	s0 =	sadd.s32 s2, s0;
	[tilespmem:s8+$0x70] =	vst v10  }
0xb9: {  	[hbm4b:s0+s15] =	stream.strided.scatter [tilespmem:s16], [sflag:$0x3], $0x2000, s13, s15, $0x38;
	[tilespmem:$0x10000] =	vst v63  }
.Ltmp2:
0xba: {  	(pc) =	sbr.rel .LBB2_7-.Ltmp2, $4  }
0xbb: {  	_ = 	snop  }
0xbc: {  	_ =	swait.ge [sflag:s17], $0x4000  }
0xbd: {  	[sflag:s17] =	ssyncset.done $0x0  }
0xbe: {  	[sflag:s17] =	ssyncadd.s32 $0xFFFFC000  }
.LBB2_6:
.Ltmp3:
0xbf: {  	s0 =	sadd.s32 $0x100, s25;
	(pc) =	sbr.rel @p0 .LBB2_8-.Ltmp3, $4  }
0xc0: {  	[tilespmem:s12], [sflag:$0x1] =	stream.indirect.gather [hbm4b:s5+s11], $0x80, s0, s11, $0xb8;
	[tilespmem:$0x10000] =	vst v63  }
0xc1: {  	_ =	swait.ge [sflag:s17], $0x4000  }
0xc2: {  	[sflag:s17] =	ssyncset.done $0x0  }
0xc3: {  	[sflag:s17] =	ssyncadd.s32 $0xFFFFC000  }
.LBB2_7:
0xc4: {  	_ =	swait.ge [sflag:s18], $0x2000  }
0xc5: {  	[sflag:s18] =	ssyncset.done $0x0  }
0xc6: {  	[sflag:s18] =	ssyncadd.s32 $0xFFFFE000  }
.LBB2_8:
0xc7: {  	v15 =	vld [tilespmem:s24+$0x2000];
	_ =	sdelay $0x3  }
0xc8: {  	s10 =	simm.s32 $0x3  }
0xc9: {  	s6 =	simm.s32 $0x1;
	v8 =	vadd.s32 s10, v15  }
0xca: {  	v14 =	vld [tilespmem:s24+$0x2010];
	s8 =	simm.s32 $0x2;
	v9 =	vadd.s32 s6, v15;
	v8 =	vadd.s32 v0, v8  }
0xcb: {  	v13 =	vld [tilespmem:s24+$0x2020];
	v16 =	vadd.s32 v0, v9;
	v9 =	vadd.s32 s8, v15  }
0xcc: {  	v12 =	vld [tilespmem:s24+$0x2030];
	s7 =	simm.s32 $0x0;
	v17 =	vadd.s32 v0, v9  }
0xcd: {  	v11 =	vld [tilespmem:s24+$0x2040];
	v18 =	vadd.s32 s7, v15  }
0xce: {  	v10 =	vld [tilespmem:s24+$0x2050];
	v18 =	vadd.s32 v0, v18  }
0xcf: {  	v19 =	vld.idx.msk [tilespmem:v8+s13+$0x0], $0xffff;
	v8 =	vadd.s32 s10, v14  }
0xd0: {  	v20 =	vadd.s32 s6, v14;
	v16 =	vld.idx.msk [tilespmem:v16+s13+$0x0], $0xffff;
	v21 =	vadd.s32 v1, v8  }
0xd1: {  	v22 =	vadd.s32 s8, v14;
	v20 =	vadd.s32 v1, v20;
	v17 =	vld.idx.msk [tilespmem:v17+s13+$0x0], $0xffff  }
0xd2: {  	v22 =	vadd.s32 v1, v22;
	v9 =	vld [tilespmem:s24+$0x2060]  }
0xd3: {  	s0 =	simm.s32 $0xE100;
	v23 =	vadd.s32 s7, v14;
	v18 =	vld.idx.msk [tilespmem:v18+s13+$0x0], $0xffff  }
0xd4: {  	v23 =	vadd.s32 v1, v23;
	v8 =	vld [tilespmem:s24+$0x2070];
	[tilespmem:s0+$0x80] =	vst v19  }
0xd5: {  	[tilespmem:s0+$0xFFFFFF80] =	vst v16;
	v19 =	vadd.s32 s10, v13;
	v16 =	vld.idx.msk [tilespmem:v21+s13+$0x0], $0xffff  }
0xd6: {  	v20 =	vld.idx.msk [tilespmem:v20+s13+$0x0], $0xffff;
	[tilespmem:s0+$0x0] =	vst v17;
	v17 =	vadd.s32 s6, v13;
	v19 =	vadd.s32 v2, v19  }
0xd7: {  	v21 =	vld.idx.msk [tilespmem:v22+s13+$0x0], $0xffff;
	v17 =	vadd.s32 v2, v17;
	v22 =	vadd.s32 s8, v13  }
0xd8: {  	[tilespmem:s0+$0xFFFFFF00] =	vst v18;
	v18 =	vadd.s32 v2, v22  }
0xd9: {  	v22 =	vld.idx.msk [tilespmem:v23+s13+$0x0], $0xffff;
	v23 =	vadd.s32 s7, v13  }
0xda: {  	v23 =	vadd.s32 v2, v23;
	[tilespmem:s0+$0x90] =	vst v16  }
0xdb: {  	[tilespmem:s0+$0xFFFFFF90] =	vst v20;
	v16 =	vld.idx.msk [tilespmem:v19+s13+$0x0], $0xffff;
	v19 =	vadd.s32 s10, v12  }
0xdc: {  	v20 =	vadd.s32 s6, v12;
	v17 =	vld.idx.msk [tilespmem:v17+s13+$0x0], $0xffff;
	[tilespmem:s0+$0x10] =	vst v21;
	v19 =	vadd.s32 v3, v19  }
0xdd: {  	s24 =	simm.s32 $0x4;
	v20 =	vadd.s32 v3, v20;
	v21 =	vadd.s32 s8, v12;
	v18 =	vld.idx.msk [tilespmem:v18+s13+$0x0], $0xffff  }
0xde: {  	v24 =	vadd.s32 s24, v15;
	[tilespmem:s0+$0xFFFFFF10] =	vst v22;
	v21 =	vadd.s32 v3, v21  }
0xdf: {  	s26 =	simm.s32 $0x5;
	v22 =	vadd.s32 v0, v24;
	v24 =	vadd.s32 s7, v12;
	v23 =	vld.idx.msk [tilespmem:v23+s13+$0x0], $0xffff  }
0xe0: {  	v25 =	vadd.s32 s26, v15;
	v24 =	vadd.s32 v3, v24;
	[tilespmem:s0+$0xA0] =	vst v16  }
0xe1: {  	v16 =	vadd.s32 v0, v25;
	[tilespmem:s0+$0xFFFFFFA0] =	vst v17;
	v17 =	vld.idx.msk [tilespmem:v19+s13+$0x0], $0xffff;
	v19 =	vadd.s32 s10, v11  }
0xe2: {  	v20 =	vld.idx.msk [tilespmem:v20+s13+$0x0], $0xffff;
	[tilespmem:s0+$0x20] =	vst v18;
	v18 =	vadd.s32 s6, v11;
	v19 =	vadd.s32 v4, v19  }
0xe3: {  	s1 =	simm.s32 $0x7;
	v25 =	vadd.s32 s8, v11;
	v21 =	vld.idx.msk [tilespmem:v21+s13+$0x0], $0xffff;
	v18 =	vadd.s32 v4, v18  }
0xe4: {  	v22 =	vld.idx.msk [tilespmem:v22+s13+$0x0], $0xffff;
	[tilespmem:s0+$0xFFFFFF20] =	vst v23;
	v23 =	vadd.s32 v4, v25;
	v25 =	vadd.s32 s1, v15  }
0xe5: {  	s28 =	simm.s32 $0x6;
	v26 =	vadd.s32 s7, v11;
	v24 =	vld.idx.msk [tilespmem:v24+s13+$0x0], $0xffff;
	v25 =	vadd.s32 v0, v25  }
0xe6: {  	v27 =	vld.idx.msk [tilespmem:v16+s13+$0x0], $0xffff;
	v16 =	vadd.s32 s28, v15;
	[tilespmem:s0+$0xB0] =	vst v17;
	v17 =	vadd.s32 v4, v26  }
0xe7: {  	[tilespmem:s0+$0xFFFFFFB0] =	vst v20;
	v16 =	vadd.s32 v0, v16;
	v20 =	vadd.s32 s10, v10;
	v19 =	vld.idx.msk [tilespmem:v19+s13+$0x0], $0xffff  }
0xe8: {  	v18 =	vld.idx.msk [tilespmem:v18+s13+$0x0], $0xffff;
	[tilespmem:s0+$0x30] =	vst v21;
	v21 =	vadd.s32 s6, v10;
	v20 =	vadd.s32 v5, v20  }
0xe9: {  	s25 =	simm.s32 $0x8;
	v26 =	vadd.s32 s8, v10;
	v23 =	vld.idx.msk [tilespmem:v23+s13+$0x0], $0xffff;
	v21 =	vadd.s32 v5, v21  }
0xea: {  	v26 =	vadd.s32 v5, v26;
	[tilespmem:s0+$0xFFFFFF30] =	vst v24;
	v24 =	vadd.s32 s25, v15;
	v25 =	vld.idx.msk [tilespmem:v25+s13+$0x0], $0xffff  }
0xeb: {  	v28 =	vadd.s32 s1, v14;
	v24 =	vadd.s32 v0, v24;
	v17 =	vld.idx.msk [tilespmem:v17+s13+$0x0], $0xffff  }
0xec: {  	v29 =	vadd.s32 s26, v14;
	v28 =	vadd.s32 v1, v28;
	v30 =	vld.idx.msk [tilespmem:v16+s13+$0x0], $0xffff;
	[tilespmem:s0+$0xC0] =	vst v19  }
0xed: {  	v16 =	vadd.s32 s28, v14;
	v19 =	vadd.s32 v1, v29;
	[tilespmem:s0+$0xFFFFFFC0] =	vst v18;
	v18 =	vld.idx.msk [tilespmem:v20+s13+$0x0], $0xffff  }
0xee: {  	s29 =	simm.s32 $0xE300;
	v20 =	vadd.s32 v1, v16;
	v21 =	vld.idx.msk [tilespmem:v21+s13+$0x0], $0xffff;
	[tilespmem:s0+$0x40] =	vst v23;
	v16 =	vadd.s32 s10, v9  }
0xef: {  	[tilespmem:s29+$0xFFFFFF80] =	vst v27;
	v23 =	vadd.s32 s24, v14;
	v26 =	vld.idx.msk [tilespmem:v26+s13+$0x0], $0xffff;
	v29 =	vadd.s32 v6, v16  }
0xf0: {  	v27 =	vadd.s32 s6, v9;
	[tilespmem:s29+$0x80] =	vst v25;
	v16 =	vld.idx.msk [tilespmem:v24+s13+$0x0], $0xffff;
	v23 =	vadd.s32 v1, v23  }
0xf1: {  	[tilespmem:s29+$0xFFFFFF00] =	vst v22;
	v27 =	vadd.s32 v6, v27;
	v24 =	vadd.s32 s7, v10;
	v25 =	vld.idx.msk [tilespmem:v28+s13+$0x0], $0xffff  }
0xf2: {  	v28 =	vadd.s32 s1, v13;
	v24 =	vadd.s32 v5, v24;
	[tilespmem:s29+$0x0] =	vst v30;
	v19 =	vld.idx.msk [tilespmem:v19+s13+$0x0], $0xffff  }
0xf3: {  	v28 =	vadd.s32 v2, v28;
	v30 =	vadd.s32 s26, v13;
	v20 =	vld.idx.msk [tilespmem:v20+s13+$0x0], $0xffff;
	[tilespmem:s0+$0xD0] =	vst v18  }
0xf4: {  	v22 =	vadd.s32 s28, v13;
	[tilespmem:s0+$0xFFFFFF40] =	vst v17;
	v18 =	vadd.s32 v2, v30;
	v29 =	vld.idx.msk [tilespmem:v29+s13+$0x0], $0xffff  }
0xf5: {  	v22 =	vadd.s32 v2, v22;
	v17 =	vadd.s32 s10, v8;
	v30 =	vadd.s32 s24, v13;
	[tilespmem:s0+$0xFFFFFFD0] =	vst v21;
	v23 =	vld.idx.msk [tilespmem:v23+s13+$0x0], $0xffff  }
0xf6: {  	v17 =	vadd.s32 v7, v17;
	v21 =	vadd.s32 v2, v30;
	v30 =	vld.idx.msk [tilespmem:v27+s13+$0x0], $0xffff  }
0xf7: {  	[tilespmem:s29+$0x90] =	vst v25;
	v25 =	vadd.s32 s8, v9;
	v24 =	vld.idx.msk [tilespmem:v24+s13+$0x0], $0xffff  }
0xf8: {  	v27 =	vld.idx.msk [tilespmem:v28+s13+$0x0], $0xffff;
	v25 =	vadd.s32 v6, v25;
	[tilespmem:s29+$0xFFFFFF90] =	vst v19;
	v19 =	vadd.s32 s7, v9  }
0xf9: {  	v28 =	vld.idx.msk [tilespmem:v18+s13+$0x0], $0xffff;
	[tilespmem:s29+$0x10] =	vst v20;
	v18 =	vadd.s32 s1, v12;
	v20 =	vadd.s32 v6, v19  }
0xfa: {  	v19 =	vadd.s32 s26, v12;
	v22 =	vld.idx.msk [tilespmem:v22+s13+$0x0], $0xffff;
	v31 =	vadd.s32 v3, v18;
	[tilespmem:s0+$0xE0] =	vst v29  }
0xfb: {  	s10 =	simm.s32 $0x9;
	[tilespmem:s29+$0xFFFFFF10] =	vst v23;
	v23 =	vadd.s32 v3, v19;
	v18 =	vadd.s32 s28, v12;
	v17 =	vld.idx.msk [tilespmem:v17+s13+$0x0], $0xffff  }
0xfc: {  	[tilespmem:s0+$0x50] =	vst v26;
	v19 =	vadd.s32 s10, v15;
	v29 =	vld.idx.msk [tilespmem:v21+s13+$0x0], $0xffff;
	v32 =	vadd.s32 v3, v18  }
0xfd: {  	v26 =	vadd.s32 v0, v19;
	v18 =	vadd.s32 s24, v12;
	[tilespmem:s0+$0xFFFFFF50] =	vst v24;
	v19 =	vld.idx.msk [tilespmem:v25+s13+$0x0], $0xffff  }
0xfe: {  	[tilespmem:s29+$0xA0] =	vst v27;
	v24 =	vadd.s32 s6, v8;
	v33 =	vadd.s32 v3, v18;
	v18 =	vld.idx.msk [tilespmem:v20+s13+$0x0], $0xffff  }
0xff: {  	v25 =	vadd.s32 s8, v8;
	v27 =	vadd.s32 v7, v24;
	[tilespmem:s29+$0xFFFFFFA0] =	vst v28;
	v20 =	vld.idx.msk [tilespmem:v31+s13+$0x0], $0xffff  }
0x100: {  	v24 =	vadd.s32 v7, v25;
	v21 =	vld.idx.msk [tilespmem:v23+s13+$0x0], $0xffff;
	[tilespmem:s29+$0x20] =	vst v22;
	v23 =	vadd.s32 s1, v11  }
0x101: {  	v28 =	vadd.s32 s26, v11;
	v22 =	vld.idx.msk [tilespmem:v32+s13+$0x0], $0xffff;
	[tilespmem:s0+$0xF0] =	vst v17;
	v25 =	vadd.s32 v4, v23  }
0x102: {  	v17 =	vld.idx.msk [tilespmem:v26+s13+$0x0], $0xffff;
	[tilespmem:s29+$0xFFFFFF20] =	vst v29;
	v29 =	vadd.s32 s28, v11;
	v26 =	vadd.s32 v4, v28  }
0x103: {  	[tilespmem:s0+$0xFFFFFFE0] =	vst v30;
	s6 =	simm.s32 $0xB;
	s8 =	simm.s32 $0xC;
	v23 =	vld.idx.msk [tilespmem:v33+s13+$0x0], $0xffff;
	v28 =	vadd.s32 v4, v29;
	v29 =	vadd.s32 s7, v8  }
.LBB2_9:
0x104: {  	p0 =	slt.u32 s8, $0x3C;
	v30 =	vadd.s32 s6, v15;
	v29 =	vadd.s32 v7, v29;
	v27 =	vld.idx.msk [tilespmem:v27+s13+$0x0], $0xffff;
	[tilespmem:s0+$0x60] =	vst v19;
	s7 =	smov.u32 s25;
	s25 =	smov.u32 s8  }
0x105: {  	s3 =	sadd.s32 $0x2, s7;
	v19 =	vadd.s32 v0, v30;
	v30 =	vadd.s32 s24, v11;
	[tilespmem:s29+$0xB0] =	vst v20;
	v20 =	vld.idx.msk [tilespmem:v24+s13+$0x0], $0xffff  }
0x106: {  	v24 =	vadd.s32 s3, v15;
	v30 =	vadd.s32 v4, v30;
	[tilespmem:s29+$0xFFFFFFB0] =	vst v21;
	v21 =	vld.idx.msk [tilespmem:v25+s13+$0x0], $0xffff  }
0x107: {  	v24 =	vadd.s32 v0, v24;
	v25 =	vld.idx.msk [tilespmem:v26+s13+$0x0], $0xffff;
	[tilespmem:s29+$0x30] =	vst v22;
	v22 =	vadd.s32 s1, v10  }
0x108: {  	v26 =	vadd.s32 s26, v10;
	v28 =	vld.idx.msk [tilespmem:v28+s13+$0x0], $0xffff;
	v22 =	vadd.s32 v5, v22;
	[tilespmem:s0+$0xFFFFFF60] =	vst v18  }
0x109: {  	v18 =	vadd.s32 v5, v26;
	[tilespmem:s29+$0xFFFFFF30] =	vst v23;
	v23 =	vadd.s32 s28, v10;
	v26 =	vld.idx.msk [tilespmem:v29+s13+$0x0], $0xffff  }
0x10a: {  	v29 =	vadd.s32 s8, v15;
	v19 =	vld.idx.msk [tilespmem:v19+s13+$0x0], $0xffff;
	v23 =	vadd.s32 v5, v23;
	[tilespmem:s0+$0xFFFFFFF0] =	vst v27  }
0x10b: {  	v27 =	vadd.s32 v0, v29;
	v29 =	vadd.s32 s6, v14;
	v30 =	vld.idx.msk [tilespmem:v30+s13+$0x0], $0xffff;
	[tilespmem:s0+$0x70] =	vst v20  }
0x10c: {  	v20 =	vadd.s32 s10, v14;
	v29 =	vadd.s32 v1, v29;
	v24 =	vld.idx.msk [tilespmem:v24+s13+$0x0], $0xffff;
	[tilespmem:s29+$0xC0] =	vst v21  }
0x10d: {  	v20 =	vadd.s32 v1, v20;
	v21 =	vadd.s32 s3, v14;
	[tilespmem:s29+$0xFFFFFFC0] =	vst v25;
	v22 =	vld.idx.msk [tilespmem:v22+s13+$0x0], $0xffff  }
0x10e: {  	v21 =	vadd.s32 v1, v21;
	v25 =	vadd.s32 s1, v9;
	v18 =	vld.idx.msk [tilespmem:v18+s13+$0x0], $0xffff;
	[tilespmem:s29+$0x40] =	vst v28  }
0x10f: {  	v28 =	vadd.s32 s7, v14;
	v25 =	vadd.s32 v6, v25;
	v23 =	vld.idx.msk [tilespmem:v23+s13+$0x0], $0xffff;
	[tilespmem:s0+$0xFFFFFF70] =	vst v26;
	s0 =	smov.u32 s29;
	s29 =	sadd.s32 $0x200, s29  }
0x110: {  	v26 =	vld.idx.msk [tilespmem:v27+s13+$0x0], $0xffff;
	v27 =	vadd.s32 v1, v28;
	[tilespmem:s29+$0x80] =	vst v19;
	v19 =	vadd.s32 s24, v10  }
0x111: {  	v28 =	vadd.s32 s26, v9;
	[tilespmem:s29+$0xFFFFFF80] =	vst v17;
	v17 =	vld.idx.msk [tilespmem:v29+s13+$0x0], $0xffff;
	v19 =	vadd.s32 v5, v19  }
0x112: {  	v28 =	vadd.s32 v6, v28;
	v20 =	vld.idx.msk [tilespmem:v20+s13+$0x0], $0xffff;
	[tilespmem:s29+$0x0] =	vst v24;
	v24 =	vadd.s32 s6, v13  }
0x113: {  	v29 =	vadd.s32 s10, v13;
	v21 =	vld.idx.msk [tilespmem:v21+s13+$0x0], $0xffff;
	v24 =	vadd.s32 v2, v24;
	[tilespmem:s0+$0xD0] =	vst v22  }
0x114: {  	v32 =	vadd.s32 s3, v13;
	v22 =	vadd.s32 v2, v29;
	[tilespmem:s29+$0xFFFFFF00] =	vst v16;
	v25 =	vld.idx.msk [tilespmem:v25+s13+$0x0], $0xffff  }
0x115: {  	v31 =	vadd.s32 s1, v8;
	s1 =	smov.u32 s6;
	v29 =	vadd.s32 v2, v32;
	v27 =	vld.idx.msk [tilespmem:v27+s13+$0x0], $0xffff;
	[tilespmem:s0+$0xFFFFFF40] =	vst v30  }
0x116: {  	v30 =	vadd.s32 s7, v13;
	v16 =	vmov v26;
	v19 =	vld.idx.msk [tilespmem:v19+s13+$0x0], $0xffff;
	[tilespmem:s0+$0xFFFFFFD0] =	vst v18;
	v18 =	vadd.s32 v7, v31  }
0x117: {  	v26 =	vadd.s32 v2, v30;
	[tilespmem:s29+$0x90] =	vst v17;
	v30 =	vld.idx.msk [tilespmem:v28+s13+$0x0], $0xffff;
	v17 =	vadd.s32 s28, v9  }
0x118: {  	[tilespmem:s29+$0xFFFFFF90] =	vst v20;
	v20 =	vld.idx.msk [tilespmem:v24+s13+$0x0], $0xffff;
	v24 =	vadd.s32 s24, v9;
	v17 =	vadd.s32 v6, v17  }
0x119: {  	v22 =	vld.idx.msk [tilespmem:v22+s13+$0x0], $0xffff;
	[tilespmem:s29+$0x10] =	vst v21;
	v21 =	vadd.s32 s1, v12;
	v24 =	vadd.s32 v6, v24  }
0x11a: {  	v28 =	vadd.s32 s10, v12;
	v29 =	vld.idx.msk [tilespmem:v29+s13+$0x0], $0xffff;
	v21 =	vadd.s32 v3, v21;
	[tilespmem:s0+$0xE0] =	vst v25  }
0x11b: {  	s6 =	sadd.s32 $0x1, s8;
	v25 =	vadd.s32 v3, v28;
	[tilespmem:s29+$0xFFFFFF10] =	vst v27;
	v27 =	vadd.s32 s3, v12;
	v28 =	vld.idx.msk [tilespmem:v18+s13+$0x0], $0xffff  }
0x11c: {  	v18 =	vadd.s32 s6, v15;
	v26 =	vld.idx.msk [tilespmem:v26+s13+$0x0], $0xffff;
	v31 =	vadd.s32 v3, v27;
	[tilespmem:s0+$0x50] =	vst v23  }
0x11d: {  	v23 =	vadd.s32 v0, v18;
	v18 =	vadd.s32 s7, v12;
	[tilespmem:s0+$0xFFFFFF50] =	vst v19;
	v19 =	vld.idx.msk [tilespmem:v17+s13+$0x0], $0xffff  }
0x11e: {  	v32 =	vadd.s32 v3, v18;
	v17 =	vadd.s32 s26, v8;
	s26 =	smov.u32 s10;
	s10 =	smov.u32 s6;
	[tilespmem:s29+$0xA0] =	vst v20;
	v18 =	vld.idx.msk [tilespmem:v24+s13+$0x0], $0xffff  }
.Ltmp4:
0x11f: {  	v27 =	vadd.s32 v7, v17;
	v17 =	vadd.s32 s28, v8;
	s28 =	smov.u32 s3;
	[tilespmem:s29+$0xFFFFFFA0] =	vst v22;
	v20 =	vld.idx.msk [tilespmem:v21+s13+$0x0], $0xffff;
	(pc) =	sbr.rel @p0 .LBB2_9-.Ltmp4, $4  }
0x120: {  	v24 =	vadd.s32 v7, v17;
	v21 =	vld.idx.msk [tilespmem:v25+s13+$0x0], $0xffff;
	[tilespmem:s29+$0x20] =	vst v29;
	v25 =	vadd.s32 s1, v11  }
0x121: {  	v29 =	vadd.s32 s26, v11;
	v22 =	vld.idx.msk [tilespmem:v31+s13+$0x0], $0xffff;
	v25 =	vadd.s32 v4, v25;
	[tilespmem:s0+$0xF0] =	vst v28  }
0x122: {  	v28 =	vadd.s32 s28, v11;
	v17 =	vld.idx.msk [tilespmem:v23+s13+$0x0], $0xffff;
	[tilespmem:s29+$0xFFFFFF20] =	vst v26;
	v26 =	vadd.s32 v4, v29  }
0x123: {  	s8 =	sadd.s32 $0x4, s8;
	s6 =	sadd.s32 $0x3, s25;
	v28 =	vadd.s32 v4, v28;
	v29 =	vadd.s32 s24, v8;
	s24 =	smov.u32 s7;
	v23 =	vld.idx.msk [tilespmem:v32+s13+$0x0], $0xffff;
	[tilespmem:s0+$0xFFFFFFE0] =	vst v30  }
0x124: {  	_ = 	snop  }
0x125: {  	[tilespmem:s0+$0x60] =	vst v19  }
0x126: {  	[tilespmem:s29+$0xB0] =	vst v20  }
0x127: {  	v30 =	vadd.s32 s6, v15;
	s7 =	sadd.s32 $0x2, s25;
	[tilespmem:s0+$0xFFFFFF60] =	vst v18  }
0x128: {  	v63 =	vld.idx.msk [tilespmem:v27+s13+$0x0], $0xffff;
	s8 =	sadd.s32 $0x200, s29;
	v30 =	vadd.s32 v0, v30;
	v32 =	vadd.s32 s7, v15;
	[tilespmem:s29+$0xFFFFFFB0] =	vst v21  }
0x129: {  	v31 =	vld.idx.msk [tilespmem:v24+s13+$0x0], $0xffff;
	[tilespmem:s8+$0xFFFFFF00] =	vst v16;
	v15 =	vadd.s32 v0, v32  }
0x12a: {  	v35 =	vadd.s32 v7, v29;
	v41 =	vadd.s32 s10, v14;
	v33 =	vld.idx.msk [tilespmem:v25+s13+$0x0], $0xffff;
	[tilespmem:s29+$0x30] =	vst v22  }
0x12b: {  	v36 =	vadd.s32 s1, v10;
	v43 =	vadd.s32 s25, v14;
	v20 =	vadd.s32 v1, v41;
	v34 =	vld.idx.msk [tilespmem:v26+s13+$0x0], $0xffff;
	[tilespmem:s8+$0xFFFFFF80] =	vst v17  }
0x12c: {  	v40 =	vadd.s32 s6, v14;
	v42 =	vadd.s32 s7, v14;
	v14 =	vadd.s32 v1, v43;
	v37 =	vld.idx.msk [tilespmem:v28+s13+$0x0], $0xffff;
	[tilespmem:s29+$0xFFFFFF30] =	vst v23  }
0x12d: {  	v38 =	vadd.s32 v5, v36;
	[tilespmem:s0+$0xFFFFFFF0] =	vst v63;
	v39 =	vld.idx.msk [tilespmem:v30+s13+$0x0], $0xffff  }
0x12e: {  	v19 =	vadd.s32 v1, v40;
	[tilespmem:s0+$0x70] =	vst v31;
	v15 =	vld.idx.msk [tilespmem:v15+s13+$0x0], $0xffff  }
0x12f: {  	v44 =	vadd.s32 s24, v11;
	v21 =	vadd.s32 v1, v42;
	v18 =	vld.idx.msk [tilespmem:v35+s13+$0x0], $0xffff;
	[tilespmem:s29+$0xC0] =	vst v33  }
0x130: {  	v45 =	vadd.s32 s26, v10;
	v22 =	vadd.s32 v4, v44;
	v20 =	vld.idx.msk [tilespmem:v20+s13+$0x0], $0xffff;
	[tilespmem:s29+$0xFFFFFFC0] =	vst v34  }
0x131: {  	v48 =	vadd.s32 s6, v13;
	v51 =	vadd.s32 s25, v13;
	v46 =	vadd.s32 v5, v45;
	v14 =	vld.idx.msk [tilespmem:v14+s13+$0x0], $0xffff;
	[tilespmem:s29+$0x40] =	vst v37  }
0x132: {  	v49 =	vadd.s32 s10, v13;
	v50 =	vadd.s32 s7, v13;
	v13 =	vadd.s32 v2, v51;
	v23 =	vld.idx.msk [tilespmem:v38+s13+$0x0], $0xffff;
	[tilespmem:s8+$0x80] =	vst v39  }
0x133: {  	v47 =	vld.idx.msk [tilespmem:v19+s13+$0x0], $0xffff;
	[tilespmem:s8+$0x0] =	vst v15;
	v15 =	vadd.s32 v2, v49  }
0x134: {  	[tilespmem:s0+$0xFFFFFF70] =	vst v18;
	v19 =	vadd.s32 v2, v48;
	v21 =	vld.idx.msk [tilespmem:v21+s13+$0x0], $0xffff  }
0x135: {  	v54 =	vadd.s32 s28, v10;
	v16 =	vadd.s32 v2, v50;
	v52 =	vld.idx.msk [tilespmem:v22+s13+$0x0], $0xffff;
	[tilespmem:s8+$0xFFFFFF90] =	vst v20  }
0x136: {  	v53 =	vadd.s32 s1, v9;
	v55 =	vadd.s32 v5, v54;
	v24 =	vld.idx.msk [tilespmem:v46+s13+$0x0], $0xffff;
	[tilespmem:s8+$0xFFFFFF10] =	vst v14  }
0x137: {  	v56 =	vadd.s32 s6, v12;
	v61 =	vadd.s32 s25, v12;
	v22 =	vadd.s32 v6, v53;
	[tilespmem:s29+$0xD0] =	vst v23;
	v13 =	vld.idx.msk [tilespmem:v13+s13+$0x0], $0xffff  }
0x138: {  	v57 =	vadd.s32 s10, v12;
	v59 =	vadd.s32 s7, v12;
	v12 =	vadd.s32 v3, v61;
	[tilespmem:s8+$0x90] =	vst v47;
	v15 =	vld.idx.msk [tilespmem:v15+s13+$0x0], $0xffff  }
0x139: {  	v58 =	vadd.s32 v3, v57;
	v19 =	vld.idx.msk [tilespmem:v19+s13+$0x0], $0xffff;
	[tilespmem:s8+$0x10] =	vst v21  }
0x13a: {  	v20 =	vadd.s32 v3, v56;
	[tilespmem:s29+$0xFFFFFF40] =	vst v52;
	v16 =	vld.idx.msk [tilespmem:v16+s13+$0x0], $0xffff  }
0x13b: {  	v60 =	vadd.s32 v3, v59;
	v31 =	vadd.s32 s26, v9;
	v17 =	vld.idx.msk [tilespmem:v55+s13+$0x0], $0xffff;
	[tilespmem:s29+$0xFFFFFFD0] =	vst v24  }
0x13c: {  	v33 =	vadd.s32 s28, v9;
	v32 =	vadd.s32 v6, v31;
	v22 =	vld.idx.msk [tilespmem:v22+s13+$0x0], $0xffff;
	[tilespmem:s8+$0xFFFFFF20] =	vst v13  }
0x13d: {  	v27 =	vadd.s32 s10, v11;
	v30 =	vadd.s32 s25, v11;
	v34 =	vadd.s32 v6, v33;
	v12 =	vld.idx.msk [tilespmem:v12+s13+$0x0], $0xffff;
	[tilespmem:s8+$0xFFFFFFA0] =	vst v15  }
0x13e: {  	v29 =	vadd.s32 s7, v11;
	v26 =	vadd.s32 s6, v11;
	v11 =	vadd.s32 v4, v30;
	[tilespmem:s8+$0xA0] =	vst v19;
	v14 =	vld.idx.msk [tilespmem:v58+s13+$0x0], $0xffff  }
0x13f: {  	v28 =	vadd.s32 v4, v27;
	v25 =	vld.idx.msk [tilespmem:v20+s13+$0x0], $0xffff;
	[tilespmem:s8+$0x20] =	vst v16  }
0x140: {  	[tilespmem:s29+$0x50] =	vst v17;
	v20 =	vadd.s32 v4, v26;
	v18 =	vld.idx.msk [tilespmem:v60+s13+$0x0], $0xffff  }
0x141: {  	v62 =	vadd.s32 s24, v10;
	v17 =	vld.idx.msk [tilespmem:v32+s13+$0x0], $0xffff;
	[tilespmem:s29+$0xE0] =	vst v22;
	v16 =	vadd.s32 v4, v29  }
0x142: {  	v63 =	vadd.s32 s1, v8;
	v21 =	vadd.s32 v5, v62;
	v15 =	vld.idx.msk [tilespmem:v34+s13+$0x0], $0xffff;
	[tilespmem:s8+$0xFFFFFF30] =	vst v12  }
0x143: {  	v36 =	vadd.s32 s6, v10;
	v40 =	vadd.s32 s25, v10;
	v24 =	vadd.s32 v7, v63;
	v11 =	vld.idx.msk [tilespmem:v11+s13+$0x0], $0xffff;
	[tilespmem:s8+$0xFFFFFFB0] =	vst v14  }
0x144: {  	v37 =	vadd.s32 s10, v10;
	v39 =	vadd.s32 s7, v10;
	v10 =	vadd.s32 v5, v40;
	[tilespmem:s8+$0xB0] =	vst v25;
	v13 =	vld.idx.msk [tilespmem:v28+s13+$0x0], $0xffff  }
0x145: {  	v38 =	vadd.s32 v5, v37;
	v35 =	vld.idx.msk [tilespmem:v20+s13+$0x0], $0xffff;
	[tilespmem:s8+$0x30] =	vst v18  }
0x146: {  	[tilespmem:s29+$0xFFFFFFE0] =	vst v17;
	v20 =	vadd.s32 v5, v36;
	v16 =	vld.idx.msk [tilespmem:v16+s13+$0x0], $0xffff  }
0x147: {  	v43 =	vadd.s32 s26, v8;
	v21 =	vld.idx.msk [tilespmem:v21+s13+$0x0], $0xffff;
	[tilespmem:s29+$0x60] =	vst v15;
	v18 =	vadd.s32 v5, v39  }
0x148: {  	v41 =	vadd.s32 s24, v9;
	v44 =	vadd.s32 v7, v43;
	v19 =	vld.idx.msk [tilespmem:v24+s13+$0x0], $0xffff;
	[tilespmem:s8+$0xFFFFFF40] =	vst v11  }
0x149: {  	v42 =	vadd.s32 v6, v41;
	v50 =	vadd.s32 s25, v9;
	v46 =	vadd.s32 s6, v9;
	v10 =	vld.idx.msk [tilespmem:v10+s13+$0x0], $0xffff;
	[tilespmem:s8+$0xFFFFFFC0] =	vst v13  }
0x14a: {  	v48 =	vadd.s32 s10, v9;
	v49 =	vadd.s32 s7, v9;
	v9 =	vadd.s32 v6, v50;
	[tilespmem:s8+$0xC0] =	vst v35;
	v12 =	vld.idx.msk [tilespmem:v38+s13+$0x0], $0xffff  }
0x14b: {  	v45 =	vld.idx.msk [tilespmem:v20+s13+$0x0], $0xffff;
	[tilespmem:s8+$0x40] =	vst v16;
	v20 =	vadd.s32 v6, v48  }
0x14c: {  	v47 =	vadd.s32 v6, v46;
	[tilespmem:s29+$0xFFFFFF50] =	vst v21;
	v18 =	vld.idx.msk [tilespmem:v18+s13+$0x0], $0xffff  }
0x14d: {  	v54 =	vadd.s32 s24, v8;
	v52 =	vadd.s32 s28, v8;
	[tilespmem:s29+$0xF0] =	vst v19;
	v14 =	vld.idx.msk [tilespmem:v44+s13+$0x0], $0xffff;
	v11 =	vadd.s32 v6, v49  }
0x14e: {  	v59 =	vadd.s32 s10, v8;
	v56 =	vadd.s32 s6, v8;
	v53 =	vadd.s32 v7, v52;
	v51 =	vld.idx.msk [tilespmem:v42+s13+$0x0], $0xffff;
	[tilespmem:s8+$0xFFFFFF50] =	vst v10  }
0x14f: {  	v55 =	vadd.s32 v7, v54;
	v62 =	vadd.s32 s7, v8;
	v8 =	vadd.s32 s25, v8;
	v9 =	vld.idx.msk [tilespmem:v9+s13+$0x0], $0xffff;
	[tilespmem:s8+$0xFFFFFFD0] =	vst v12  }
0x150: {  	v8 =	vadd.s32 v7, v8;
	[tilespmem:s8+$0xD0] =	vst v45;
	v58 =	vld.idx.msk [tilespmem:v20+s13+$0x0], $0xffff  }
0x151: {  	v61 =	vadd.s32 v7, v59;
	v16 =	vld.idx.msk [tilespmem:v47+s13+$0x0], $0xffff;
	[tilespmem:s8+$0x50] =	vst v18  }
0x152: {  	v57 =	vadd.s32 v7, v56;
	[tilespmem:s29+$0xFFFFFFF0] =	vst v14;
	v60 =	vld.idx.msk [tilespmem:v11+s13+$0x0], $0xffff  }
0x153: {  	v63 =	vadd.s32 v7, v62;
	v15 =	vld.idx.msk [tilespmem:v53+s13+$0x0], $0xffff;
	[tilespmem:s29+$0xFFFFFF60] =	vst v51  }
0x154: {  	v13 =	vld.idx.msk [tilespmem:v55+s13+$0x0], $0xffff;
	[tilespmem:s8+$0xFFFFFF60] =	vst v9  }
0x155: {  	v8 =	vld.idx.msk [tilespmem:v8+s13+$0x0], $0xffff;
	[tilespmem:s8+$0xFFFFFFE0] =	vst v58  }
0x156: {  	[tilespmem:s8+$0xE0] =	vst v16;
	v11 =	vld.idx.msk [tilespmem:v61+s13+$0x0], $0xffff  }
0x157: {  	v12 =	vld.idx.msk [tilespmem:v57+s13+$0x0], $0xffff;
	[tilespmem:s8+$0x60] =	vst v60  }
0x158: {  	s22 =	sadd.s32 $0x1, s22;
	[tilespmem:s29+$0x70] =	vst v15;
	v10 =	vld.idx.msk [tilespmem:v63+s13+$0x0], $0xffff  }
0x159: {  	p0 =	sne.s32 s22, $0x19;
	[tilespmem:s29+$0xFFFFFF70] =	vst v13  }
.Ltmp5:
0x15a: {  	s31 =	sshll.u32 s23, $0x12;
	[tilespmem:s8+$0xFFFFFF70] =	vst v8;
	(pc) =	sbr.rel @p0 .LBB2_2-.Ltmp5, $4  }
0x15b: {  	s0 =	sor.u32 s4, s31;
	[tilespmem:s8+$0xFFFFFFF0] =	vst v11  }
0x15c: {  	s0 =	sshrl.u32 s0, $0x3;
	[tilespmem:s8+$0xF0] =	vst v12  }
0x15d: {  	s0 =	sadd.s32 s2, s0;
	[tilespmem:s8+$0x70] =	vst v10  }
0x15e: {  	[hbm4b:s0+s15] =	stream.strided.scatter [tilespmem:s19], [sflag:$0x4], $0x2000, s13, s15, $0x38;
	[tilespmem:$0x10000] =	vst v63  }
0x15f: {  	_ =	swait.ge [sflag:s20], $0x2000  }
0x160: {  	[sflag:s20] =	ssyncset.done $0x0  }
0x161: {  	[sflag:s20] =	ssyncadd.s32 $0xFFFFE000  }
0x162: {  	_ =	swait.ge [sflag:s18], $0x2000  }
0x163: {  	s21 =	sadd.s32 $0x1, s21;
	s0 =	rddreg [dreg:$0x5]  }
0x164: {  	p0 =	sne.s32 s21, s0  }
.Ltmp6:
0x165: {  	_ = 	snop;
	(pc) =	sbr.rel @p0 .LBB2_1-.Ltmp6, $3  }
0x166: {  	_ =	sdelay $0x1  }
0x167: {  	[sflag:s18] =	ssyncset.done $0x0  }
0x168: {  	[sflag:s18] =	ssyncadd.s32 $0xFFFFE000  }
0x169: {  	_ =	sfence.sel $0x180000  }
0x16a: {  	[bflag:$0x0] =	sbarrier.arrive $0xFFFF  }
0x16b: {  	_ =	strace $0x90000047  }
0x16c: {  	s0 =	stileid.u32;
	[bflag:$0x2] =	sbarrier.arrive $0xFFFF  }
0x16d: {  	p0 =	sne.s32 s0, $0x0;
	s0 =	rddreg [dreg:$0x2]  }
0x16e: {  	s0 =	sadd.s32 @!p0 $0x100000, s0  }
0x16f: {  	[sflag:s0] =	ssyncadd.tile.s32 @!p0 $0x1;
	_ =	shalt  }
.Lfunc_end2:
_tile_overlayer_lowered:
.L_overlay_start_2:
0x170: {  	(tag) =	ssettag $0x2  }
0x171: {  	s0 =	rddreg [dreg:$0x0];
	s2 =	stileid.u32  }
0x172: {  	s1 =	rddreg [dreg:$0x1];
	p0 =	sne.s32 s2, $0x0  }
0x173: {  	s3 =	rddreg [dreg:$0x2];
	[bflag:$0x3] =	sbarrier.arrive $0xFFFF;
	s2 =	simm.s32 @!p0 $0x1C05  }
0x174: {  	[timem:s3], [sflag:s2] =	dma.local @!p0 [hbm:s0], s1  }
0x175: {  	s0 =	simm.s32 @!p0 $0x5  }
0x176: {  	_ =	swait.ge @!p0 [sflag:s0], s1  }
0x177: {  	s1 =	ssub.s32 @!p0 $0x0, s1;
	[sflag:s0] =	ssyncset.done @!p0 $0x0  }
0x178: {  	[sflag:s0] =	ssyncadd.s32 @!p0 s1  }
0x179: {  	[bflag:$0x3] =	sbarrier.arrive $0xFFFF  }
0x17a: {  	_ =	shalt  }

</sc_bundles>
